<compile_context>
chip_gen: v7x
topology: tpu7x:2x2x1
jax: 0.10.2.dev20260603
libtpu: 0.0.44.dev20260713+nightly
codegen_flags: <defaults>
</compile_context>

<pallas_src>
import functools

import jax
import jax.numpy as jnp
import numpy as np
from jax import lax
from jax.experimental import pallas as pl
from jax.experimental.pallas import tpu as pltpu
from jax.experimental.pallas import tpu_sc as plsc

B, S, D = 4, 8192, 768
H = D // 2
OUT = 4096
K = 200
SEL = 208
SR, SC_ = 64, 128
INT_MIN = np.int32(-2**31)


_BS = 1024


def _score_body(x_ref, w1_ref, b1_ref, w2_ref, k_ref):
    xb = x_ref[...].reshape(B * _BS, D)
    h = jnp.dot(xb, w1_ref[...], preferred_element_type=jnp.float32)
    h = h + b1_ref[...]
    h = 0.5 * h * (1.0 + lax.erf(h * np.float32(np.sqrt(0.5))))
    s = jnp.dot(h, w2_ref[...], preferred_element_type=jnp.float32)
    bits = lax.bitcast_convert_type(s[:, 0], jnp.int32)
    keys = jnp.where(bits < 0, bits ^ jnp.int32(0x7FFFFFFF), bits)
    k_ref[...] = keys.reshape(B, _BS)


def _scores(x, w1t, b1r, w2t):
    return pl.pallas_call(
        _score_body,
        grid=(S // _BS,),
        in_specs=[
            pl.BlockSpec((B, _BS, D), lambda s: (0, s, 0)),
            pl.BlockSpec((D, H), lambda s: (0, 0)),
            pl.BlockSpec((1, H), lambda s: (0, 0)),
            pl.BlockSpec((H, 1), lambda s: (0, 0)),
        ],
        out_specs=pl.BlockSpec((B, _BS), lambda s: (0, s)),
        out_shape=jax.ShapeDtypeStruct((B, S), jnp.int32),
    )(x, w1t, b1r, w2t)



def _prefix_incl(m):
    m2 = m.reshape(B * SR, SC_)
    tri_c = (lax.broadcasted_iota(jnp.int32, (SC_, SC_), 0)
             <= lax.broadcasted_iota(jnp.int32, (SC_, SC_), 1))
    intra = jnp.dot(m2, tri_c.astype(jnp.float32),
                    precision=lax.Precision.HIGHEST,
                    preferred_element_type=jnp.float32)
    totals = intra[:, SC_ - 1].reshape(B, SR)
    tri_r = (lax.broadcasted_iota(jnp.int32, (SR, SR), 0)
             < lax.broadcasted_iota(jnp.int32, (SR, SR), 1))
    rowpre = jnp.dot(totals, tri_r.astype(jnp.float32),
                     precision=lax.Precision.HIGHEST,
                     preferred_element_type=jnp.float32)
    out = intra.reshape(B, SR, SC_) + rowpre[:, :, None]
    return out.reshape(B, S)


def _select_body(k_ref, gidx_ref):
    keys = k_ref[...]

    def bs_body(i, p):
        cand_u = p | (jnp.int32(1) << (jnp.int32(31) - i))
        cand_s = cand_u ^ INT_MIN
        cnt = jnp.sum((keys >= cand_s).astype(jnp.int32),
                      axis=1, keepdims=True)
        return jnp.where(cnt >= K, cand_u, p)
    t_u = lax.fori_loop(0, 32, bs_body, jnp.zeros((B, 1), jnp.int32))
    t_s = t_u ^ INT_MIN

    mgt = keys > t_s
    meq = keys == t_s
    ngt = jnp.sum(mgt.astype(jnp.int32), axis=1, keepdims=True)
    m = K - ngt
    eq_pre = _prefix_incl(meq.astype(jnp.float32))
    sel = mgt | (meq & (eq_pre.astype(jnp.int32) <= m))
    pos = _prefix_incl(sel.astype(jnp.float32)).astype(jnp.int32) - 1
    pos = jnp.where(sel, pos, -1)

    iota_s = lax.broadcasted_iota(jnp.int32, (1, S), 1)
    hi = ((keys >> 16) + 32768).astype(jnp.float32)
    lo = (keys & 0xFFFF).astype(jnp.float32)
    iota_f = jnp.broadcast_to(iota_s, (B, S)).astype(jnp.float32)

    iota16 = lax.broadcasted_iota(jnp.int32, (1, 16), 1)
    qslot = lax.broadcasted_iota(jnp.int32, (SEL // 16, 1), 0)
    jpos = lax.broadcasted_iota(jnp.int32, (SEL, SEL), 0)
    ipos = lax.broadcasted_iota(jnp.int32, (SEL, SEL), 1)
    rnk_row = lax.broadcasted_iota(jnp.int32, (SEL, SEL), 0)
    prow16 = lax.broadcasted_iota(jnp.int32, (SEL, 16), 0)
    mr = ((prow16 & 15)
          == lax.broadcasted_iota(jnp.int32, (SEL, 16), 1)
          ).astype(jnp.float32)
    prow13 = lax.broadcasted_iota(jnp.int32, (SEL, SEL // 16), 0)
    rq = ((prow13 >> 4)
          == lax.broadcasted_iota(jnp.int32, (SEL, SEL // 16), 1)
          ).astype(jnp.float32)
    for b in range(B):
        pb = pos[b]
        qm = ((pb >> 4)[None, :] == qslot).astype(jnp.float32)
        rm = ((pb & 15)[:, None] == iota16).astype(jnp.float32)
        v = jnp.concatenate(
            [rm * iota_f[b][:, None], rm * hi[b][:, None],
             rm * lo[b][:, None]], axis=1)
        cmp = jnp.dot(qm, v, precision=lax.Precision.HIGHEST,
                      preferred_element_type=jnp.float32)
        z = jnp.dot(rq, cmp, precision=lax.Precision.HIGHEST,
                    preferred_element_type=jnp.float32)
        idx_c = jnp.sum(z[:, 0:16] * mr, axis=1).astype(jnp.int32)
        hi_c = jnp.sum(z[:, 16:32] * mr, axis=1).astype(jnp.int32)
        lo_c = jnp.sum(z[:, 32:48] * mr, axis=1).astype(jnp.int32)
        keys_c = ((hi_c - 32768) << 16) | lo_c

        kcol = keys_c[:, None]
        beats = (kcol > keys_c[None, :]) | ((kcol == keys_c[None, :])
                                            & (jpos < ipos))
        ranks = jnp.sum(beats.astype(jnp.int32), axis=0)
        pmat = (rnk_row == ranks[None, :]).astype(jnp.float32)
        gidx_ref[b, :] = jnp.dot(
            pmat, idx_c.astype(jnp.float32)[:, None],
            precision=lax.Precision.HIGHEST,
            preferred_element_type=jnp.float32)[:, 0].astype(jnp.int32)


def _select(keys):
    return pl.pallas_call(
        _select_body,
        out_shape=jax.ShapeDtypeStruct((B, SEL), jnp.int32),
    )(keys)



_GC = 32


def _gather_body(gidx_hbm, x_hbm, rows_hbm, idx_v, rows_v, sem):
    c = lax.axis_index("c")
    s = lax.axis_index("s")
    wid = s * 2 + c
    b = wid // 8
    j = wid - b * 8
    st = j * 24
    pltpu.sync_copy(gidx_hbm.at[b], idx_v)
    pltpu.async_copy(x_hbm.at[b].at[idx_v.at[pl.ds(st, _GC)]], rows_v,
                     sem).wait()
    pltpu.sync_copy(rows_v, rows_hbm.at[pl.ds(b * K + st, _GC)])


@functools.partial(
    pl.kernel,
    out_type=jax.ShapeDtypeStruct((B * K, D), jnp.float32),
    mesh=plsc.VectorSubcoreMesh(core_axis_name="c", subcore_axis_name="s",
                                num_cores=2, num_subcores=16),
    scratch_types=[
        pltpu.VMEM((SEL,), jnp.int32),
        pltpu.VMEM((_GC, D), jnp.float32),
        pltpu.SemaphoreType.DMA,
    ],
)
def _sc_gather(gidx_hbm, x_hbm, rows_hbm, idx_v, rows_v, sem):
    _gather_body(gidx_hbm, x_hbm, rows_hbm, idx_v, rows_v, sem)



_BO = 1024


def _proj_body(sel_ref, wp_ref, bp_ref, o_ref):
    o_ref[...] = (jnp.dot(sel_ref[...], wp_ref[...],
                          preferred_element_type=jnp.float32) + bp_ref[...])


def _proj(sel, wpt, bpr):
    return pl.pallas_call(
        _proj_body,
        grid=(OUT // _BO,),
        in_specs=[
            pl.BlockSpec((B * K, D), lambda o: (0, 0)),
            pl.BlockSpec((D, _BO), lambda o: (0, o)),
            pl.BlockSpec((1, _BO), lambda o: (0, o)),
        ],
        out_specs=pl.BlockSpec((B * K, _BO), lambda o: (0, o)),
        out_shape=jax.ShapeDtypeStruct((B * K, OUT), jnp.float32),
    )(sel, wpt, bpr)



def kernel(x, W1, b1, W2, b2, Wp, bp):
    if x.ndim == 2:
        x = x[None, :, :]
    keys = _scores(x, W1.T, b1.reshape(1, H), W2.T)
    gidx = _select(keys)
    rows = _sc_gather(gidx, x)
    return _proj(rows, Wp.T, bp.reshape(1, OUT)).reshape(B, K, OUT)

# --- scband reference (transcript-rebuilt; emitter-appended) ---
"""Pipeline reference for scband-patch-select-33560874451584 (READ-ONLY COPY).

The authoritative reference and input builder live on the scoring server;
editing this copy changes nothing except your own understanding.
"""

import jax, jax.numpy as jnp
import numpy as np

B, S, D = 4, 8192, 768
H = D // 2
OUT = 4096
NUM_TOKENS = 200

def setup_inputs(seed: int = 0) -> dict:
    key = jax.random.key(seed)
    ks = jax.random.split(key, 7)
    x = jax.random.normal(ks[0], (B, S, D), dtype=jnp.float32)
    W1 = jax.random.normal(ks[1], (H, D), dtype=jnp.float32) * (1.0 / np.sqrt(D))
    b1 = jnp.zeros((H,), dtype=jnp.float32)
    W2 = jax.random.normal(ks[2], (1, H), dtype=jnp.float32) * (1.0 / np.sqrt(H))
    b2 = jnp.zeros((1,), dtype=jnp.float32)
    Wp = jax.random.normal(ks[3], (OUT, D), dtype=jnp.float32) * (1.0 / np.sqrt(D))
    bp = jnp.zeros((OUT,), dtype=jnp.float32)
    return {"x": x, "W1": W1, "b1": b1, "W2": W2, "b2": b2, "Wp": Wp, "bp": bp}

def reference(x, W1, b1, W2, b2, Wp, bp):
    if x.ndim == 2:
        x = x[None, :, :]
    # score_func: Linear(D, D//2) -> GELU(exact) -> Linear(D//2, 1)
    h = x @ W1.T + b1
    h = jax.nn.gelu(h, approximate=False)
    token_importance = (h @ W2.T + b2).squeeze(-1)  # [B, S]
    _, topk_indices = jax.lax.top_k(token_importance, NUM_TOKENS)  # [B, k]
    select_tokens = jnp.take_along_axis(x, topk_indices[:, :, None], axis=1)  # [B, k, D]
    return select_tokens @ Wp.T + bp  # [B, k, OUT]

if __name__ == "__main__":
    import jax
    _d = setup_inputs()
    print(jax.jit(kernel)(*tuple(_d.values())))

</pallas_src>

<mosaic_0001>
#map = affine_map<(d0, d1) -> (0, 0)>
#map1 = affine_map<(d0, d1) -> (0, 0, 0)>
module attributes {stable_mosaic.version = 14 : i64} {
  func.func @_sc_gather(%arg0: i32, %arg1: i32, %arg2: memref<4x208xi32, #tpu.memory_space<hbm>>, %arg3: memref<4x8192x768xf32, #tpu.memory_space<hbm>>, %arg4: memref<800x768xf32, #tpu.memory_space<hbm>>, %arg5: memref<208xi32, #tpu.memory_space<vmem>>, %arg6: memref<32x768xf32, #tpu.memory_space<vmem>>, %arg7: memref<!tpu.dma_semaphore, #tpu.memory_space<semaphore_mem>>) attributes {dimension_semantics = [#tpu.dimension_semantics<core_parallel>, #tpu.dimension_semantics<subcore_parallel>], iteration_bounds = array<i64: 2, 16>, scalar_prefetch = 0 : i64, scratch_operands = 3 : i64, tpu.core_type = #tpu.core_type<sc_vector_subcore>, window_params = [{transform_indices = #map}, {transform_indices = #map1}, {transform_indices = #map}]} {
    %mul3A = arith.constant 2 : i32
    %mul3A_0 = arith.muli %arg1, %mul3A : i32
    %add3A = arith.addi %mul3A_0, %arg0 : i32
    %jit3A = arith.constant 8 : i32
    %div3A = arith.divsi %add3A, %jit3A : i32
    %sign3A = arith.constant 0 : i32
    %sign3A_1 = arith.cmpi sgt, %add3A, %sign3A : i32
    %sign3A_2 = arith.extui %sign3A_1 : i1 to i32
    %sign3A_3 = arith.constant 0 : i32
    %sign3A_4 = arith.cmpi slt, %add3A, %sign3A_3 : i32
    %sign3A_5 = arith.extui %sign3A_4 : i1 to i32
    %sign3A_6 = arith.subi %sign3A_2, %sign3A_5 : i32
    %sign3A_7 = arith.constant 0 : i32
    %sign3A_8 = arith.cmpi sgt, %jit3A, %sign3A_7 : i32
    %sign3A_9 = arith.extui %sign3A_8 : i1 to i32
    %sign3A_10 = arith.constant 0 : i32
    %sign3A_11 = arith.cmpi slt, %jit3A, %sign3A_10 : i32
    %sign3A_12 = arith.extui %sign3A_11 : i1 to i32
    %sign3A_13 = arith.subi %sign3A_9, %sign3A_12 : i32
    %ne3A = arith.cmpi ne, %sign3A_6, %sign3A_13 : i32
    %rem3A = arith.remsi %add3A, %jit3A : i32
    %ne3A_14 = arith.constant 0 : i32
    %ne3A_15 = arith.cmpi ne, %rem3A, %ne3A_14 : i32
    %and3A = arith.andi %ne3A, %ne3A_15 : i1
    %sub3A = arith.constant 1 : i32
    %sub3A_16 = arith.subi %div3A, %sub3A : i32
    %select_n3A = arith.select %and3A, %sub3A_16, %div3A : i32
    %mul3A_17 = arith.constant 8 : i32
    %mul3A_18 = arith.muli %select_n3A, %mul3A_17 : i32
    %sub3A_19 = arith.subi %add3A, %mul3A_18 : i32
    %mul3A_20 = arith.constant 24 : i32
    %mul3A_21 = arith.muli %sub3A_19, %mul3A_20 : i32
    "tpu.region"() ({
      %run_scoped3A = tpu.sem_alloc : memref<!tpu.dma_semaphore, #tpu.memory_space<semaphore_mem>>
      %dma_start3A_39 = arith.constant 0 : i32
      %dma_start3A_40 = tpu.memref_slice %arg2[%select_n3A, %dma_start3A_39] : memref<4x208xi32, #tpu.memory_space<hbm>> -> memref<1x208xi32, #tpu.memory_space<hbm>>
      %dma_start3A_41 = tpu.memref_squeeze %dma_start3A_40 : memref<1x208xi32, #tpu.memory_space<hbm>> -> memref<208xi32, #tpu.memory_space<hbm>>
      %dma_start3A_42 = arith.constant 0 : i32
      %dma_start3A_43 = tpu.memref_slice %arg2[%select_n3A, %dma_start3A_42] : memref<4x208xi32, #tpu.memory_space<hbm>> -> memref<1x208xi32, #tpu.memory_space<hbm>>
      %dma_start3A_44 = tpu.memref_squeeze %dma_start3A_43 : memref<1x208xi32, #tpu.memory_space<hbm>> -> memref<208xi32, #tpu.memory_space<hbm>>
      tpu.enqueue_dma source(%dma_start3A_44 : memref<208xi32, #tpu.memory_space<hbm>>) target(%arg5 : memref<208xi32, #tpu.memory_space<vmem>>) target_semaphore(%run_scoped3A : memref<!tpu.dma_semaphore, #tpu.memory_space<semaphore_mem>>)
      %dma_wait3A_45 = arith.constant 0 : i32
      %dma_wait3A_46 = tpu.memref_slice %arg2[%select_n3A, %dma_wait3A_45] : memref<4x208xi32, #tpu.memory_space<hbm>> -> memref<1x208xi32, #tpu.memory_space<hbm>>
      %dma_wait3A_47 = tpu.memref_squeeze %dma_wait3A_46 : memref<1x208xi32, #tpu.memory_space<hbm>> -> memref<208xi32, #tpu.memory_space<hbm>>
      %dma_wait3A_48 = arith.constant 0 : i32
      %dma_wait3A_49 = tpu.memref_slice %arg2[%select_n3A, %dma_wait3A_48] : memref<4x208xi32, #tpu.memory_space<hbm>> -> memref<1x208xi32, #tpu.memory_space<hbm>>
      %dma_wait3A_50 = tpu.memref_squeeze %dma_wait3A_49 : memref<1x208xi32, #tpu.memory_space<hbm>> -> memref<208xi32, #tpu.memory_space<hbm>>
      tpu.wait_dma2 semaphore(%run_scoped3A : memref<!tpu.dma_semaphore, #tpu.memory_space<semaphore_mem>>) src(%dma_wait3A_50 : memref<208xi32, #tpu.memory_space<hbm>>) dst(%arg5 : memref<208xi32, #tpu.memory_space<vmem>>)
      tpu.yield
    }) : () -> ()
    %dma_start3A = tpu.memref_slice %arg5[%mul3A_21] : memref<208xi32, #tpu.memory_space<vmem>> -> memref<32xi32, #tpu.memory_space<vmem>>
    %dma_start3A_22 = arith.constant 0 : i32
    %dma_start3A_23 = arith.constant 0 : i32
    %dma_start3A_24 = tpu.memref_slice %arg3[%select_n3A, %dma_start3A_22, %dma_start3A_23] : memref<4x8192x768xf32, #tpu.memory_space<hbm>> -> memref<1x8192x768xf32, #tpu.memory_space<hbm>>
    %dma_start3A_25 = tpu.memref_squeeze %dma_start3A_24 : memref<1x8192x768xf32, #tpu.memory_space<hbm>> -> memref<8192x768xf32, #tpu.memory_space<hbm>>
    %dma_start3A_26 = arith.constant 0 : i32
    %dma_start3A_27 = arith.constant 0 : i32
    %dma_start3A_28 = tpu.memref_slice %dma_start3A_25[%dma_start3A_26, %dma_start3A_27] : memref<8192x768xf32, #tpu.memory_space<hbm>> -> memref<8192x768xf32, #tpu.memory_space<hbm>>
    tpu.enqueue_indirect_dma source(%dma_start3A_28 : memref<8192x768xf32, #tpu.memory_space<hbm>>) target(%arg6 : memref<32x768xf32, #tpu.memory_space<vmem>>) offsets(%dma_start3A : memref<32xi32, #tpu.memory_space<vmem>>) semaphore(%arg7 : memref<!tpu.dma_semaphore, #tpu.memory_space<semaphore_mem>>)
    %dma_wait3A = tpu.memref_slice %arg5[%mul3A_21] : memref<208xi32, #tpu.memory_space<vmem>> -> memref<32xi32, #tpu.memory_space<vmem>>
    %dma_wait3A_29 = arith.constant 0 : i32
    %dma_wait3A_30 = arith.constant 0 : i32
    %dma_wait3A_31 = tpu.memref_slice %arg3[%select_n3A, %dma_wait3A_29, %dma_wait3A_30] : memref<4x8192x768xf32, #tpu.memory_space<hbm>> -> memref<1x8192x768xf32, #tpu.memory_space<hbm>>
    %dma_wait3A_32 = tpu.memref_squeeze %dma_wait3A_31 : memref<1x8192x768xf32, #tpu.memory_space<hbm>> -> memref<8192x768xf32, #tpu.memory_space<hbm>>
    %dma_wait3A_33 = arith.constant 0 : i32
    %dma_wait3A_34 = arith.constant 0 : i32
    %dma_wait3A_35 = tpu.memref_slice %dma_wait3A_32[%dma_wait3A_33, %dma_wait3A_34] : memref<8192x768xf32, #tpu.memory_space<hbm>> -> memref<8192x768xf32, #tpu.memory_space<hbm>>
    tpu.wait_indirect_dma semaphore(%arg7 : memref<!tpu.dma_semaphore, #tpu.memory_space<semaphore_mem>>) src(%dma_wait3A_35 : memref<8192x768xf32, #tpu.memory_space<hbm>>) dst(%arg6 : memref<32x768xf32, #tpu.memory_space<vmem>>)
    %mul3A_36 = arith.constant 200 : i32
    %mul3A_37 = arith.muli %select_n3A, %mul3A_36 : i32
    %add3A_38 = arith.addi %mul3A_37, %mul3A_21 : i32
    "tpu.region"() ({
      %run_scoped3A = tpu.sem_alloc : memref<!tpu.dma_semaphore, #tpu.memory_space<semaphore_mem>>
      %dma_start3A_39 = arith.constant 0 : i32
      %dma_start3A_40 = tpu.memref_slice %arg4[%add3A_38, %dma_start3A_39] : memref<800x768xf32, #tpu.memory_space<hbm>> -> memref<32x768xf32, #tpu.memory_space<hbm>>
      %dma_start3A_41 = arith.constant 0 : i32
      %dma_start3A_42 = tpu.memref_slice %arg4[%add3A_38, %dma_start3A_41] : memref<800x768xf32, #tpu.memory_space<hbm>> -> memref<32x768xf32, #tpu.memory_space<hbm>>
      tpu.enqueue_dma source(%arg6 : memref<32x768xf32, #tpu.memory_space<vmem>>) target(%dma_start3A_42 : memref<32x768xf32, #tpu.memory_space<hbm>>) target_semaphore(%run_scoped3A : memref<!tpu.dma_semaphore, #tpu.memory_space<semaphore_mem>>)
      %dma_wait3A_43 = arith.constant 0 : i32
      %dma_wait3A_44 = tpu.memref_slice %arg4[%add3A_38, %dma_wait3A_43] : memref<800x768xf32, #tpu.memory_space<hbm>> -> memref<32x768xf32, #tpu.memory_space<hbm>>
      %dma_wait3A_45 = arith.constant 0 : i32
      %dma_wait3A_46 = tpu.memref_slice %arg4[%add3A_38, %dma_wait3A_45] : memref<800x768xf32, #tpu.memory_space<hbm>> -> memref<32x768xf32, #tpu.memory_space<hbm>>
      tpu.wait_dma2 semaphore(%run_scoped3A : memref<!tpu.dma_semaphore, #tpu.memory_space<semaphore_mem>>) src(%arg6 : memref<32x768xf32, #tpu.memory_space<vmem>>) dst(%dma_wait3A_46 : memref<32x768xf32, #tpu.memory_space<hbm>>)
      tpu.yield
    }) : () -> ()
    return
  }
}

module attributes {stable_mosaic.version = 14 : i64} {
  func.func @_score_body(%arg0: i32, %arg1: memref<4x1024x768xf32, #tpu.memory_space<vmem>>, %arg2: memref<768x384xf32, #tpu.memory_space<vmem>>, %arg3: memref<1x384xf32, #tpu.memory_space<vmem>>, %arg4: memref<384x1xf32, #tpu.memory_space<vmem>>, %arg5: memref<4x1024xi32, #tpu.memory_space<vmem>>) attributes {dimension_semantics = [#tpu.dimension_semantics<arbitrary>], iteration_bounds = array<i64: 8>, scalar_prefetch = 0 : i64, scratch_operands = 0 : i64, tpu.core_type = #tpu.core_type<tc>, window_params = [{transform_indices = @transform_0, window_bounds = array<i64: 4, 1024, 768>}, {pipeline_mode = #tpu.pipeline_mode<synchronous>, transform_indices = @transform_1, window_bounds = array<i64: 768, 384>}, {pipeline_mode = #tpu.pipeline_mode<synchronous>, transform_indices = @transform_2, window_bounds = array<i64: 1, 384>}, {pipeline_mode = #tpu.pipeline_mode<synchronous>, transform_indices = @transform_3, window_bounds = array<i64: 384, 1>}, {transform_indices = @transform_4, window_bounds = array<i64: 4, 1024>}]} {
    %get3A = arith.constant 0 : index
    %get3A_0 = arith.constant 0 : index
    %get3A_1 = arith.constant 0 : index
    %get3A_2 = vector.load %arg1[%get3A, %get3A_0, %get3A_1] : memref<4x1024x768xf32, #tpu.memory_space<vmem>>, vector<4x1024x768xf32>
    %reshape3A = vector.shape_cast %get3A_2 : vector<4x1024x768xf32> to vector<4096x768xf32>
    %get3A_3 = arith.constant 0 : index
    %get3A_4 = arith.constant 0 : index
    %get3A_5 = vector.load %arg2[%get3A_3, %get3A_4] : memref<768x384xf32, #tpu.memory_space<vmem>>, vector<768x384xf32>
    %dot_general3A = arith.constant dense<0.000000e+00> : vector<4096x384xf32>
    %dot_general3A_6 = tpu.matmul %reshape3A, %get3A_5, %dot_general3A {dimension_numbers = #tpu.dot_dimension_numbers<[1], [0], [0], [1], [0, 0, 1, 1], [], []>, transpose_lhs_hint = false} : vector<4096x768xf32>, vector<768x384xf32>, vector<4096x384xf32> -> vector<4096x384xf32>
    %get3A_7 = arith.constant 0 : index
    %get3A_8 = arith.constant 0 : index
    %get3A_9 = vector.load %arg3[%get3A_7, %get3A_8] : memref<1x384xf32, #tpu.memory_space<vmem>>, vector<1x384xf32>
    %add3A = vector.broadcast %get3A_9 : vector<1x384xf32> to vector<4096x384xf32>
    %add3A_10 = arith.addf %dot_general3A_6, %add3A : vector<4096x384xf32>
    %mul3A = arith.constant 5.000000e-01 : f32
    %mul3A_11 = vector.broadcast %mul3A : f32 to vector<4096x384xf32>
    %mul3A_12 = arith.mulf %mul3A_11, %add3A_10 : vector<4096x384xf32>
    %mul3A_13 = arith.constant 0.707106769 : f32
    %mul3A_14 = vector.broadcast %mul3A_13 : f32 to vector<4096x384xf32>
    %mul3A_15 = arith.mulf %add3A_10, %mul3A_14 : vector<4096x384xf32>
    %erf3A = math.erf %mul3A_15 : vector<4096x384xf32>
    %add3A_16 = arith.constant 1.000000e+00 : f32
    %add3A_17 = vector.broadcast %add3A_16 : f32 to vector<4096x384xf32>
    %add3A_18 = arith.addf %add3A_17, %erf3A : vector<4096x384xf32>
    %mul3A_19 = arith.mulf %mul3A_12, %add3A_18 : vector<4096x384xf32>
    %get3A_20 = arith.constant 0 : index
    %get3A_21 = arith.constant 0 : index
    %get3A_22 = vector.load %arg4[%get3A_20, %get3A_21] : memref<384x1xf32, #tpu.memory_space<vmem>>, vector<384x1xf32>
    %dot_general3A_23 = arith.constant dense<0.000000e+00> : vector<4096x1xf32>
    %dot_general3A_24 = tpu.matmul %mul3A_19, %get3A_22, %dot_general3A_23 {dimension_numbers = #tpu.dot_dimension_numbers<[1], [0], [0], [1], [0, 0, 1, 1], [], []>, transpose_lhs_hint = false} : vector<4096x384xf32>, vector<384x1xf32>, vector<4096x1xf32> -> vector<4096x1xf32>
    %squeeze3A = vector.shape_cast %dot_general3A_24 : vector<4096x1xf32> to vector<4096xf32>
    %bitcast_convert_type3A = tpu.bitcast %squeeze3A : vector<4096xf32> -> vector<4096xi32>
    %lt3A = arith.constant 0 : i32
    %lt3A_25 = vector.broadcast %lt3A : i32 to vector<4096xi32>
    %lt3A_26 = arith.cmpi slt, %bitcast_convert_type3A, %lt3A_25 : vector<4096xi32>
    %xor3A = arith.constant 2147483647 : i32
    %xor3A_27 = vector.broadcast %xor3A : i32 to vector<4096xi32>
    %xor3A_28 = arith.xori %bitcast_convert_type3A, %xor3A_27 : vector<4096xi32>
    %select_n3A = arith.select %lt3A_26, %xor3A_28, %bitcast_convert_type3A : vector<4096xi1>, vector<4096xi32>
    %reshape3A_29 = vector.shape_cast %select_n3A : vector<4096xi32> to vector<4x1024xi32>
    %swap3A = arith.constant 0 : index
    %swap3A_30 = arith.constant 0 : index
    %swap3A_31 = vector.load %arg5[%swap3A, %swap3A_30] : memref<4x1024xi32, #tpu.memory_space<vmem>>, vector<4x1024xi32>
    tpu.vector_store %arg5[%swap3A, %swap3A_30], %reshape3A_29 {strides = array<i32>} : memref<4x1024xi32, #tpu.memory_space<vmem>>, vector<4x1024xi32>,
    return
  }
  func.func @transform_0(%arg0: i32) -> (i32, i32, i32) {
    %c0_i32 = arith.constant 0 : i32
    %c0_i32_0 = arith.constant 0 : i32
    %c0_i32_1 = arith.constant 0 : i32
    return %c0_i32, %arg0, %c0_i32_0 : i32, i32, i32
  }
  func.func @transform_1(%arg0: i32) -> (i32, i32) {
    %c0_i32 = arith.constant 0 : i32
    %c0_i32_0 = arith.constant 0 : i32
    %c0_i32_1 = arith.constant 0 : i32
    return %c0_i32, %c0_i32_0 : i32, i32
  }
  func.func @transform_2(%arg0: i32) -> (i32, i32) {
    %c0_i32 = arith.constant 0 : i32
    %c0_i32_0 = arith.constant 0 : i32
    %c0_i32_1 = arith.constant 0 : i32
    return %c0_i32, %c0_i32_0 : i32, i32
  }
  func.func @transform_3(%arg0: i32) -> (i32, i32) {
    %c0_i32 = arith.constant 0 : i32
    %c0_i32_0 = arith.constant 0 : i32
    %c0_i32_1 = arith.constant 0 : i32
    return %c0_i32, %c0_i32_0 : i32, i32
  }
  func.func @transform_4(%arg0: i32) -> (i32, i32) {
    %c0_i32 = arith.constant 0 : i32
    %c0_i32_0 = arith.constant 0 : i32
    return %c0_i32, %arg0 : i32, i32
  }
}

module attributes {stable_mosaic.version = 14 : i64} {
  func.func @_select_body(%arg0: memref<4x8192xi32, #tpu.memory_space<vmem>>, %arg1: memref<4x208xi32, #tpu.memory_space<vmem>>) attributes {dimension_semantics = [], scalar_prefetch = 0 : i64, scratch_operands = 0 : i64, tpu.core_type = #tpu.core_type<tc>} {
    %get3A = arith.constant 0 : index
    %get3A_0 = arith.constant 0 : index
    %get3A_1 = vector.load %arg0[%get3A, %get3A_0] : memref<4x8192xi32, #tpu.memory_space<vmem>>, vector<4x8192xi32>
    %broadcast_in_dim3A = arith.constant 0 : i32
    %broadcast_in_dim3A_2 = vector.broadcast %broadcast_in_dim3A : i32 to vector<4x1xi32>
    %scan3A = arith.constant 0 : i32
    %scan3A_3 = arith.constant 32 : i32
    %scan3A_4 = arith.addi %scan3A, %scan3A_3 : i32
    %scan3A_5 = arith.constant 1 : i32
    %scan3A_6 = scf.for %scan3A_469 = %scan3A to %scan3A_4 step %scan3A_5 iter_args(%scan3A_470 = %broadcast_in_dim3A_2) -> (vector<4x1xi32>)  : i32 {
      %sub3A_471 = arith.constant 31 : i32
      %sub3A_472 = arith.subi %sub3A_471, %scan3A_469 : i32
      %shift_left3A_473 = arith.constant 1 : i32
      %shift_left3A_474 = arith.shli %shift_left3A_473, %sub3A_472 : i32
      %or3A_475 = vector.broadcast %shift_left3A_474 : i32 to vector<4x1xi32>
      %or3A_476 = arith.ori %scan3A_470, %or3A_475 : vector<4x1xi32>
      %xor3A_477 = arith.constant -2147483648 : i32
      %xor3A_478 = vector.broadcast %xor3A_477 : i32 to vector<4x1xi32>
      %xor3A_479 = arith.xori %or3A_476, %xor3A_478 : vector<4x1xi32>
      %ge3A = vector.broadcast %xor3A_479 : vector<4x1xi32> to vector<4x8192xi32>
      %ge3A_480 = arith.cmpi sge, %get3A_1, %ge3A : vector<4x8192xi32>
      %convert_element_type3A_481 = arith.extui %ge3A_480 : vector<4x8192xi1> to vector<4x8192xi32>
      %reduce_sum3A_482 = arith.constant dense<0> : vector<4xi32>
      %reduce_sum3A_483 = vector.multi_reduction <add>, %convert_element_type3A_481, %reduce_sum3A_482 [1] : vector<4x8192xi32> to vector<4xi32>
      %broadcast_in_dim3A_484 = vector.shape_cast %reduce_sum3A_483 : vector<4xi32> to vector<4x1xi32>
      %ge3A_485 = arith.constant 200 : i32
      %ge3A_486 = vector.broadcast %ge3A_485 : i32 to vector<4x1xi32>
      %ge3A_487 = arith.cmpi sge, %broadcast_in_dim3A_484, %ge3A_486 : vector<4x1xi32>
      %select_n3A_488 = arith.select %ge3A_487, %or3A_476, %scan3A_470 : vector<4x1xi1>, vector<4x1xi32>
      scf.yield %select_n3A_488 : vector<4x1xi32>
    }
    %scan3A_7 = arith.constant 32 : i32
    %xor3A = arith.constant -2147483648 : i32
    %xor3A_8 = vector.broadcast %xor3A : i32 to vector<4x1xi32>
    %xor3A_9 = arith.xori %scan3A_6, %xor3A_8 : vector<4x1xi32>
    %gt3A = vector.broadcast %xor3A_9 : vector<4x1xi32> to vector<4x8192xi32>
    %gt3A_10 = arith.cmpi sgt, %get3A_1, %gt3A : vector<4x8192xi32>
    %eq3A = vector.broadcast %xor3A_9 : vector<4x1xi32> to vector<4x8192xi32>
    %eq3A_11 = arith.cmpi eq, %get3A_1, %eq3A : vector<4x8192xi32>
    %convert_element_type3A = arith.extui %gt3A_10 : vector<4x8192xi1> to vector<4x8192xi32>
    %reduce_sum3A = arith.constant dense<0> : vector<4xi32>
    %reduce_sum3A_12 = vector.multi_reduction <add>, %convert_element_type3A, %reduce_sum3A [1] : vector<4x8192xi32> to vector<4xi32>
    %broadcast_in_dim3A_13 = vector.shape_cast %reduce_sum3A_12 : vector<4xi32> to vector<4x1xi32>
    %sub3A = arith.constant 200 : i32
    %sub3A_14 = vector.broadcast %sub3A : i32 to vector<4x1xi32>
    %sub3A_15 = arith.subi %sub3A_14, %broadcast_in_dim3A_13 : vector<4x1xi32>
    %convert_element_type3A_16 = arith.extui %eq3A_11 : vector<4x8192xi1> to vector<4x8192xi32>
    %convert_element_type3A_17 = arith.sitofp %convert_element_type3A_16 : vector<4x8192xi32> to vector<4x8192xf32>
    %reshape3A = vector.shape_cast %convert_element_type3A_17 : vector<4x8192xf32> to vector<256x128xf32>
    %iota3A = tpu.iota {dimensions = array<i32: 0>} : vector<128x128xi32>
    %iota3A_18 = tpu.iota {dimensions = array<i32: 1>} : vector<128x128xi32>
    %le3A = arith.cmpi sle, %iota3A, %iota3A_18 : vector<128x128xi32>
    %convert_element_type3A_19 = arith.extui %le3A : vector<128x128xi1> to vector<128x128xi32>
    %convert_element_type3A_20 = arith.sitofp %convert_element_type3A_19 : vector<128x128xi32> to vector<128x128xf32>
    %dot_general3A = arith.constant dense<0.000000e+00> : vector<256x128xf32>
    %dot_general3A_21 = tpu.matmul %reshape3A, %convert_element_type3A_20, %dot_general3A {dimension_numbers = #tpu.dot_dimension_numbers<[1], [0], [0], [1], [0, 0, 1, 1], [], []>, precision = #tpu.contract_precision<fp32>, transpose_lhs_hint = false} : vector<256x128xf32>, vector<128x128xf32>, vector<256x128xf32> -> vector<256x128xf32>
    %slice3A = vector.extract_strided_slice %dot_general3A_21 {offsets = [0, 127], sizes = [256, 1], strides = [1, 1]} : vector<256x128xf32> to vector<256x1xf32>
    %squeeze3A = vector.shape_cast %slice3A : vector<256x1xf32> to vector<256xf32>
    %reshape3A_22 = vector.shape_cast %squeeze3A : vector<256xf32> to vector<4x64xf32>
    %iota3A_23 = tpu.iota {dimensions = array<i32: 0>} : vector<64x64xi32>
    %iota3A_24 = tpu.iota {dimensions = array<i32: 1>} : vector<64x64xi32>
    %lt3A = arith.cmpi slt, %iota3A_23, %iota3A_24 : vector<64x64xi32>
    %convert_element_type3A_25 = arith.extui %lt3A : vector<64x64xi1> to vector<64x64xi32>
    %convert_element_type3A_26 = arith.sitofp %convert_element_type3A_25 : vector<64x64xi32> to vector<64x64xf32>
    %dot_general3A_27 = arith.constant dense<0.000000e+00> : vector<4x64xf32>
    %dot_general3A_28 = tpu.matmul %reshape3A_22, %convert_element_type3A_26, %dot_general3A_27 {dimension_numbers = #tpu.dot_dimension_numbers<[1], [0], [0], [1], [0, 0, 1, 1], [], []>, precision = #tpu.contract_precision<fp32>, transpose_lhs_hint = false} : vector<4x64xf32>, vector<64x64xf32>, vector<4x64xf32> -> vector<4x64xf32>
    %reshape3A_29 = vector.shape_cast %dot_general3A_21 : vector<256x128xf32> to vector<4x64x128xf32>
    %broadcast_in_dim3A_30 = vector.shape_cast %dot_general3A_28 : vector<4x64xf32> to vector<4x64x1xf32>
    %add3A = vector.broadcast %broadcast_in_dim3A_30 : vector<4x64x1xf32> to vector<4x64x128xf32>
    %add3A_31 = arith.addf %reshape3A_29, %add3A : vector<4x64x128xf32>
    %reshape3A_32 = vector.shape_cast %add3A_31 : vector<4x64x128xf32> to vector<4x8192xf32>
    %convert_element_type3A_33 = arith.fptosi %reshape3A_32 : vector<4x8192xf32> to vector<4x8192xi32>
    %le3A_34 = vector.broadcast %sub3A_15 : vector<4x1xi32> to vector<4x8192xi32>
    %le3A_35 = arith.cmpi sle, %convert_element_type3A_33, %le3A_34 : vector<4x8192xi32>
    %and3A = arith.andi %eq3A_11, %le3A_35 : vector<4x8192xi1>
    %or3A = arith.ori %gt3A_10, %and3A : vector<4x8192xi1>
    %convert_element_type3A_36 = arith.extui %or3A : vector<4x8192xi1> to vector<4x8192xi32>
    %convert_element_type3A_37 = arith.sitofp %convert_element_type3A_36 : vector<4x8192xi32> to vector<4x8192xf32>
    %reshape3A_38 = vector.shape_cast %convert_element_type3A_37 : vector<4x8192xf32> to vector<256x128xf32>
    %iota3A_39 = tpu.iota {dimensions = array<i32: 0>} : vector<128x128xi32>
    %iota3A_40 = tpu.iota {dimensions = array<i32: 1>} : vector<128x128xi32>
    %le3A_41 = arith.cmpi sle, %iota3A_39, %iota3A_40 : vector<128x128xi32>
    %convert_element_type3A_42 = arith.extui %le3A_41 : vector<128x128xi1> to vector<128x128xi32>
    %convert_element_type3A_43 = arith.sitofp %convert_element_type3A_42 : vector<128x128xi32> to vector<128x128xf32>
    %dot_general3A_44 = arith.constant dense<0.000000e+00> : vector<256x128xf32>
    %dot_general3A_45 = tpu.matmul %reshape3A_38, %convert_element_type3A_43, %dot_general3A_44 {dimension_numbers = #tpu.dot_dimension_numbers<[1], [0], [0], [1], [0, 0, 1, 1], [], []>, precision = #tpu.contract_precision<fp32>, transpose_lhs_hint = false} : vector<256x128xf32>, vector<128x128xf32>, vector<256x128xf32> -> vector<256x128xf32>
    %slice3A_46 = vector.extract_strided_slice %dot_general3A_45 {offsets = [0, 127], sizes = [256, 1], strides = [1, 1]} : vector<256x128xf32> to vector<256x1xf32>
    %squeeze3A_47 = vector.shape_cast %slice3A_46 : vector<256x1xf32> to vector<256xf32>
    %reshape3A_48 = vector.shape_cast %squeeze3A_47 : vector<256xf32> to vector<4x64xf32>
    %iota3A_49 = tpu.iota {dimensions = array<i32: 0>} : vector<64x64xi32>
    %iota3A_50 = tpu.iota {dimensions = array<i32: 1>} : vector<64x64xi32>
    %lt3A_51 = arith.cmpi slt, %iota3A_49, %iota3A_50 : vector<64x64xi32>
    %convert_element_type3A_52 = arith.extui %lt3A_51 : vector<64x64xi1> to vector<64x64xi32>
    %convert_element_type3A_53 = arith.sitofp %convert_element_type3A_52 : vector<64x64xi32> to vector<64x64xf32>
    %dot_general3A_54 = arith.constant dense<0.000000e+00> : vector<4x64xf32>
    %dot_general3A_55 = tpu.matmul %reshape3A_48, %convert_element_type3A_53, %dot_general3A_54 {dimension_numbers = #tpu.dot_dimension_numbers<[1], [0], [0], [1], [0, 0, 1, 1], [], []>, precision = #tpu.contract_precision<fp32>, transpose_lhs_hint = false} : vector<4x64xf32>, vector<64x64xf32>, vector<4x64xf32> -> vector<4x64xf32>
    %reshape3A_56 = vector.shape_cast %dot_general3A_45 : vector<256x128xf32> to vector<4x64x128xf32>
    %broadcast_in_dim3A_57 = vector.shape_cast %dot_general3A_55 : vector<4x64xf32> to vector<4x64x1xf32>
    %add3A_58 = vector.broadcast %broadcast_in_dim3A_57 : vector<4x64x1xf32> to vector<4x64x128xf32>
    %add3A_59 = arith.addf %reshape3A_56, %add3A_58 : vector<4x64x128xf32>
    %reshape3A_60 = vector.shape_cast %add3A_59 : vector<4x64x128xf32> to vector<4x8192xf32>
    %convert_element_type3A_61 = arith.fptosi %reshape3A_60 : vector<4x8192xf32> to vector<4x8192xi32>
    %sub3A_62 = arith.constant 1 : i32
    %sub3A_63 = vector.broadcast %sub3A_62 : i32 to vector<4x8192xi32>
    %sub3A_64 = arith.subi %convert_element_type3A_61, %sub3A_63 : vector<4x8192xi32>
    %jit3A = arith.constant -1 : i32
    %broadcast_in_dim3A_65 = vector.broadcast %jit3A : i32 to vector<4x8192xi32>
    %select_n3A = arith.select %or3A, %sub3A_64, %broadcast_in_dim3A_65 : vector<4x8192xi1>, vector<4x8192xi32>
    %iota3A_66 = tpu.iota {dimensions = array<i32: 1>} : vector<1x8192xi32>
    %shift_right_arithmetic3A = arith.constant 16 : i32
    %shift_right_arithmetic3A_67 = vector.broadcast %shift_right_arithmetic3A : i32 to vector<4x8192xi32>
    %shift_right_arithmetic3A_68 = arith.shrsi %get3A_1, %shift_right_arithmetic3A_67 : vector<4x8192xi32>
    %add3A_69 = arith.constant 32768 : i32
    %add3A_70 = vector.broadcast %add3A_69 : i32 to vector<4x8192xi32>
    %add3A_71 = arith.addi %shift_right_arithmetic3A_68, %add3A_70 : vector<4x8192xi32>
    %convert_element_type3A_72 = arith.sitofp %add3A_71 : vector<4x8192xi32> to vector<4x8192xf32>
    %and3A_73 = arith.constant 65535 : i32
    %and3A_74 = vector.broadcast %and3A_73 : i32 to vector<4x8192xi32>
    %and3A_75 = arith.andi %get3A_1, %and3A_74 : vector<4x8192xi32>
    %convert_element_type3A_76 = arith.sitofp %and3A_75 : vector<4x8192xi32> to vector<4x8192xf32>
    %broadcast_in_dim3A_77 = vector.shape_cast %iota3A_66 : vector<1x8192xi32> to vector<1x8192xi32>
    %broadcast_in_dim3A_78 = vector.broadcast %broadcast_in_dim3A_77 : vector<1x8192xi32> to vector<4x8192xi32>
    %convert_element_type3A_79 = arith.sitofp %broadcast_in_dim3A_78 : vector<4x8192xi32> to vector<4x8192xf32>
    %iota3A_80 = tpu.iota {dimensions = array<i32: 1>} : vector<1x16xi32>
    %iota3A_81 = tpu.iota {dimensions = array<i32: 0>} : vector<13x1xi32>
    %iota3A_82 = tpu.iota {dimensions = array<i32: 0>} : vector<208x208xi32>
    %iota3A_83 = tpu.iota {dimensions = array<i32: 1>} : vector<208x208xi32>
    %iota3A_84 = tpu.iota {dimensions = array<i32: 0>} : vector<208x208xi32>
    %iota3A_85 = tpu.iota {dimensions = array<i32: 0>} : vector<208x16xi32>
    %and3A_86 = arith.constant 15 : i32
    %and3A_87 = vector.broadcast %and3A_86 : i32 to vector<208x16xi32>
    %and3A_88 = arith.andi %iota3A_85, %and3A_87 : vector<208x16xi32>
    %iota3A_89 = tpu.iota {dimensions = array<i32: 1>} : vector<208x16xi32>
    %eq3A_90 = arith.cmpi eq, %and3A_88, %iota3A_89 : vector<208x16xi32>
    %convert_element_type3A_91 = arith.extui %eq3A_90 : vector<208x16xi1> to vector<208x16xi32>
    %convert_element_type3A_92 = arith.sitofp %convert_element_type3A_91 : vector<208x16xi32> to vector<208x16xf32>
    %iota3A_93 = tpu.iota {dimensions = array<i32: 0>} : vector<208x13xi32>
    %shift_right_arithmetic3A_94 = arith.constant 4 : i32
    %shift_right_arithmetic3A_95 = vector.broadcast %shift_right_arithmetic3A_94 : i32 to vector<208x13xi32>
    %shift_right_arithmetic3A_96 = arith.shrsi %iota3A_93, %shift_right_arithmetic3A_95 : vector<208x13xi32>
    %iota3A_97 = tpu.iota {dimensions = array<i32: 1>} : vector<208x13xi32>
    %eq3A_98 = arith.cmpi eq, %shift_right_arithmetic3A_96, %iota3A_97 : vector<208x13xi32>
    %convert_element_type3A_99 = arith.extui %eq3A_98 : vector<208x13xi1> to vector<208x13xi32>
    %convert_element_type3A_100 = arith.sitofp %convert_element_type3A_99 : vector<208x13xi32> to vector<208x13xf32>
    %slice3A_101 = vector.extract_strided_slice %select_n3A {offsets = [0, 0], sizes = [1, 8192], strides = [1, 1]} : vector<4x8192xi32> to vector<1x8192xi32>
    %squeeze3A_102 = vector.shape_cast %slice3A_101 : vector<1x8192xi32> to vector<8192xi32>
    %shift_right_arithmetic3A_103 = arith.constant 4 : i32
    %shift_right_arithmetic3A_104 = vector.broadcast %shift_right_arithmetic3A_103 : i32 to vector<8192xi32>
    %shift_right_arithmetic3A_105 = arith.shrsi %squeeze3A_102, %shift_right_arithmetic3A_104 : vector<8192xi32>
    %broadcast_in_dim3A_106 = vector.shape_cast %shift_right_arithmetic3A_105 : vector<8192xi32> to vector<1x8192xi32>
    %eq3A_107 = vector.broadcast %broadcast_in_dim3A_106 : vector<1x8192xi32> to vector<13x8192xi32>
    %eq3A_108 = vector.broadcast %iota3A_81 : vector<13x1xi32> to vector<13x8192xi32>
    %eq3A_109 = arith.cmpi eq, %eq3A_107, %eq3A_108 : vector<13x8192xi32>
    %convert_element_type3A_110 = arith.extui %eq3A_109 : vector<13x8192xi1> to vector<13x8192xi32>
    %convert_element_type3A_111 = arith.sitofp %convert_element_type3A_110 : vector<13x8192xi32> to vector<13x8192xf32>
    %and3A_112 = arith.constant 15 : i32
    %and3A_113 = vector.broadcast %and3A_112 : i32 to vector<8192xi32>
    %and3A_114 = arith.andi %squeeze3A_102, %and3A_113 : vector<8192xi32>
    %broadcast_in_dim3A_115 = vector.shape_cast %and3A_114 : vector<8192xi32> to vector<8192x1xi32>
    %eq3A_116 = vector.broadcast %broadcast_in_dim3A_115 : vector<8192x1xi32> to vector<8192x16xi32>
    %eq3A_117 = vector.broadcast %iota3A_80 : vector<1x16xi32> to vector<8192x16xi32>
    %eq3A_118 = arith.cmpi eq, %eq3A_116, %eq3A_117 : vector<8192x16xi32>
    %convert_element_type3A_119 = arith.extui %eq3A_118 : vector<8192x16xi1> to vector<8192x16xi32>
    %convert_element_type3A_120 = arith.sitofp %convert_element_type3A_119 : vector<8192x16xi32> to vector<8192x16xf32>
    %slice3A_121 = vector.extract_strided_slice %convert_element_type3A_79 {offsets = [0, 0], sizes = [1, 8192], strides = [1, 1]} : vector<4x8192xf32> to vector<1x8192xf32>
    %squeeze3A_122 = vector.shape_cast %slice3A_121 : vector<1x8192xf32> to vector<8192xf32>
    %broadcast_in_dim3A_123 = vector.shape_cast %squeeze3A_122 : vector<8192xf32> to vector<8192x1xf32>
    %mul3A = vector.broadcast %broadcast_in_dim3A_123 : vector<8192x1xf32> to vector<8192x16xf32>
    %mul3A_124 = arith.mulf %convert_element_type3A_120, %mul3A : vector<8192x16xf32>
    %slice3A_125 = vector.extract_strided_slice %convert_element_type3A_72 {offsets = [0, 0], sizes = [1, 8192], strides = [1, 1]} : vector<4x8192xf32> to vector<1x8192xf32>
    %squeeze3A_126 = vector.shape_cast %slice3A_125 : vector<1x8192xf32> to vector<8192xf32>
    %broadcast_in_dim3A_127 = vector.shape_cast %squeeze3A_126 : vector<8192xf32> to vector<8192x1xf32>
    %mul3A_128 = vector.broadcast %broadcast_in_dim3A_127 : vector<8192x1xf32> to vector<8192x16xf32>
    %mul3A_129 = arith.mulf %convert_element_type3A_120, %mul3A_128 : vector<8192x16xf32>
    %slice3A_130 = vector.extract_strided_slice %convert_element_type3A_76 {offsets = [0, 0], sizes = [1, 8192], strides = [1, 1]} : vector<4x8192xf32> to vector<1x8192xf32>
    %squeeze3A_131 = vector.shape_cast %slice3A_130 : vector<1x8192xf32> to vector<8192xf32>
    %broadcast_in_dim3A_132 = vector.shape_cast %squeeze3A_131 : vector<8192xf32> to vector<8192x1xf32>
    %mul3A_133 = vector.broadcast %broadcast_in_dim3A_132 : vector<8192x1xf32> to vector<8192x16xf32>
    %mul3A_134 = arith.mulf %convert_element_type3A_120, %mul3A_133 : vector<8192x16xf32>
    %concatenate3A = tpu.concatenate %mul3A_124, %mul3A_129, %mul3A_134 in 1 : vector<8192x16xf32>, vector<8192x16xf32>, vector<8192x16xf32> -> vector<8192x48xf32>
    %dot_general3A_135 = arith.constant dense<0.000000e+00> : vector<13x48xf32>
    %dot_general3A_136 = tpu.matmul %convert_element_type3A_111, %concatenate3A, %dot_general3A_135 {dimension_numbers = #tpu.dot_dimension_numbers<[1], [0], [0], [1], [0, 0, 1, 1], [], []>, precision = #tpu.contract_precision<fp32>, transpose_lhs_hint = false} : vector<13x8192xf32>, vector<8192x48xf32>, vector<13x48xf32> -> vector<13x48xf32>
    %dot_general3A_137 = arith.constant dense<0.000000e+00> : vector<208x48xf32>
    %dot_general3A_138 = tpu.matmul %convert_element_type3A_100, %dot_general3A_136, %dot_general3A_137 {dimension_numbers = #tpu.dot_dimension_numbers<[1], [0], [0], [1], [0, 0, 1, 1], [], []>, precision = #tpu.contract_precision<fp32>, transpose_lhs_hint = false} : vector<208x13xf32>, vector<13x48xf32>, vector<208x48xf32> -> vector<208x48xf32>
    %slice3A_139 = vector.extract_strided_slice %dot_general3A_138 {offsets = [0, 0], sizes = [208, 16], strides = [1, 1]} : vector<208x48xf32> to vector<208x16xf32>
    %mul3A_140 = arith.mulf %slice3A_139, %convert_element_type3A_92 : vector<208x16xf32>
    %reduce_sum3A_141 = arith.constant dense<0.000000e+00> : vector<208xf32>
    %reduce_sum3A_142 = vector.multi_reduction <add>, %mul3A_140, %reduce_sum3A_141 [1] : vector<208x16xf32> to vector<208xf32>
    %convert_element_type3A_143 = arith.fptosi %reduce_sum3A_142 : vector<208xf32> to vector<208xi32>
    %slice3A_144 = vector.extract_strided_slice %dot_general3A_138 {offsets = [0, 16], sizes = [208, 16], strides = [1, 1]} : vector<208x48xf32> to vector<208x16xf32>
    %mul3A_145 = arith.mulf %slice3A_144, %convert_element_type3A_92 : vector<208x16xf32>
    %reduce_sum3A_146 = arith.constant dense<0.000000e+00> : vector<208xf32>
    %reduce_sum3A_147 = vector.multi_reduction <add>, %mul3A_145, %reduce_sum3A_146 [1] : vector<208x16xf32> to vector<208xf32>
    %convert_element_type3A_148 = arith.fptosi %reduce_sum3A_147 : vector<208xf32> to vector<208xi32>
    %slice3A_149 = vector.extract_strided_slice %dot_general3A_138 {offsets = [0, 32], sizes = [208, 16], strides = [1, 1]} : vector<208x48xf32> to vector<208x16xf32>
    %mul3A_150 = arith.mulf %slice3A_149, %convert_element_type3A_92 : vector<208x16xf32>
    %reduce_sum3A_151 = arith.constant dense<0.000000e+00> : vector<208xf32>
    %reduce_sum3A_152 = vector.multi_reduction <add>, %mul3A_150, %reduce_sum3A_151 [1] : vector<208x16xf32> to vector<208xf32>
    %convert_element_type3A_153 = arith.fptosi %reduce_sum3A_152 : vector<208xf32> to vector<208xi32>
    %sub3A_154 = arith.constant 32768 : i32
    %sub3A_155 = vector.broadcast %sub3A_154 : i32 to vector<208xi32>
    %sub3A_156 = arith.subi %convert_element_type3A_148, %sub3A_155 : vector<208xi32>
    %shift_left3A = arith.constant 16 : i32
    %shift_left3A_157 = vector.broadcast %shift_left3A : i32 to vector<208xi32>
    %shift_left3A_158 = arith.shli %sub3A_156, %shift_left3A_157 : vector<208xi32>
    %or3A_159 = arith.ori %shift_left3A_158, %convert_element_type3A_153 : vector<208xi32>
    %broadcast_in_dim3A_160 = vector.shape_cast %or3A_159 : vector<208xi32> to vector<208x1xi32>
    %broadcast_in_dim3A_161 = vector.shape_cast %or3A_159 : vector<208xi32> to vector<1x208xi32>
    %gt3A_162 = vector.broadcast %broadcast_in_dim3A_160 : vector<208x1xi32> to vector<208x208xi32>
    %gt3A_163 = vector.broadcast %broadcast_in_dim3A_161 : vector<1x208xi32> to vector<208x208xi32>
    %gt3A_164 = arith.cmpi sgt, %gt3A_162, %gt3A_163 : vector<208x208xi32>
    %broadcast_in_dim3A_165 = vector.shape_cast %or3A_159 : vector<208xi32> to vector<1x208xi32>
    %eq3A_166 = vector.broadcast %broadcast_in_dim3A_160 : vector<208x1xi32> to vector<208x208xi32>
    %eq3A_167 = vector.broadcast %broadcast_in_dim3A_165 : vector<1x208xi32> to vector<208x208xi32>
    %eq3A_168 = arith.cmpi eq, %eq3A_166, %eq3A_167 : vector<208x208xi32>
    %lt3A_169 = arith.cmpi slt, %iota3A_82, %iota3A_83 : vector<208x208xi32>
    %and3A_170 = arith.andi %eq3A_168, %lt3A_169 : vector<208x208xi1>
    %or3A_171 = arith.ori %gt3A_164, %and3A_170 : vector<208x208xi1>
    %convert_element_type3A_172 = arith.extui %or3A_171 : vector<208x208xi1> to vector<208x208xi32>
    %reduce_sum3A_173 = arith.constant dense<0> : vector<208xi32>
    %reduce_sum3A_174 = vector.multi_reduction <add>, %convert_element_type3A_172, %reduce_sum3A_173 [0] : vector<208x208xi32> to vector<208xi32>
    %broadcast_in_dim3A_175 = vector.shape_cast %reduce_sum3A_174 : vector<208xi32> to vector<1x208xi32>
    %eq3A_176 = vector.broadcast %broadcast_in_dim3A_175 : vector<1x208xi32> to vector<208x208xi32>
    %eq3A_177 = arith.cmpi eq, %iota3A_84, %eq3A_176 : vector<208x208xi32>
    %convert_element_type3A_178 = arith.extui %eq3A_177 : vector<208x208xi1> to vector<208x208xi32>
    %convert_element_type3A_179 = arith.sitofp %convert_element_type3A_178 : vector<208x208xi32> to vector<208x208xf32>
    %convert_element_type3A_180 = arith.sitofp %convert_element_type3A_143 : vector<208xi32> to vector<208xf32>
    %broadcast_in_dim3A_181 = vector.shape_cast %convert_element_type3A_180 : vector<208xf32> to vector<208x1xf32>
    %dot_general3A_182 = arith.constant dense<0.000000e+00> : vector<208x1xf32>
    %dot_general3A_183 = tpu.matmul %convert_element_type3A_179, %broadcast_in_dim3A_181, %dot_general3A_182 {dimension_numbers = #tpu.dot_dimension_numbers<[1], [0], [0], [1], [0, 0, 1, 1], [], []>, precision = #tpu.contract_precision<fp32>, transpose_lhs_hint = false} : vector<208x208xf32>, vector<208x1xf32>, vector<208x1xf32> -> vector<208x1xf32>
    %squeeze3A_184 = vector.shape_cast %dot_general3A_183 : vector<208x1xf32> to vector<208xf32>
    %convert_element_type3A_185 = arith.fptosi %squeeze3A_184 : vector<208xf32> to vector<208xi32>
    %swap3A = arith.constant 0 : index
    %swap3A_186 = arith.constant 0 : index
    %swap3A_187 = vector.load %arg1[%swap3A, %swap3A_186] : memref<4x208xi32, #tpu.memory_space<vmem>>, vector<1x208xi32>
    %swap3A_188 = vector.shape_cast %swap3A_187 : vector<1x208xi32> to vector<208xi32>
    %swap3A_189 = vector.shape_cast %convert_element_type3A_185 : vector<208xi32> to vector<1x208xi32>
    tpu.vector_store %arg1[%swap3A, %swap3A_186], %swap3A_189 {strides = array<i32>} : memref<4x208xi32, #tpu.memory_space<vmem>>, vector<1x208xi32>,
    %slice3A_190 = vector.extract_strided_slice %select_n3A {offsets = [1, 0], sizes = [1, 8192], strides = [1, 1]} : vector<4x8192xi32> to vector<1x8192xi32>
    %squeeze3A_191 = vector.shape_cast %slice3A_190 : vector<1x8192xi32> to vector<8192xi32>
    %shift_right_arithmetic3A_192 = arith.constant 4 : i32
    %shift_right_arithmetic3A_193 = vector.broadcast %shift_right_arithmetic3A_192 : i32 to vector<8192xi32>
    %shift_right_arithmetic3A_194 = arith.shrsi %squeeze3A_191, %shift_right_arithmetic3A_193 : vector<8192xi32>
    %broadcast_in_dim3A_195 = vector.shape_cast %shift_right_arithmetic3A_194 : vector<8192xi32> to vector<1x8192xi32>
    %eq3A_196 = vector.broadcast %broadcast_in_dim3A_195 : vector<1x8192xi32> to vector<13x8192xi32>
    %eq3A_197 = vector.broadcast %iota3A_81 : vector<13x1xi32> to vector<13x8192xi32>
    %eq3A_198 = arith.cmpi eq, %eq3A_196, %eq3A_197 : vector<13x8192xi32>
    %convert_element_type3A_199 = arith.extui %eq3A_198 : vector<13x8192xi1> to vector<13x8192xi32>
    %convert_element_type3A_200 = arith.sitofp %convert_element_type3A_199 : vector<13x8192xi32> to vector<13x8192xf32>
    %and3A_201 = arith.constant 15 : i32
    %and3A_202 = vector.broadcast %and3A_201 : i32 to vector<8192xi32>
    %and3A_203 = arith.andi %squeeze3A_191, %and3A_202 : vector<8192xi32>
    %broadcast_in_dim3A_204 = vector.shape_cast %and3A_203 : vector<8192xi32> to vector<8192x1xi32>
    %eq3A_205 = vector.broadcast %broadcast_in_dim3A_204 : vector<8192x1xi32> to vector<8192x16xi32>
    %eq3A_206 = vector.broadcast %iota3A_80 : vector<1x16xi32> to vector<8192x16xi32>
    %eq3A_207 = arith.cmpi eq, %eq3A_205, %eq3A_206 : vector<8192x16xi32>
    %convert_element_type3A_208 = arith.extui %eq3A_207 : vector<8192x16xi1> to vector<8192x16xi32>
    %convert_element_type3A_209 = arith.sitofp %convert_element_type3A_208 : vector<8192x16xi32> to vector<8192x16xf32>
    %slice3A_210 = vector.extract_strided_slice %convert_element_type3A_79 {offsets = [1, 0], sizes = [1, 8192], strides = [1, 1]} : vector<4x8192xf32> to vector<1x8192xf32>
    %squeeze3A_211 = vector.shape_cast %slice3A_210 : vector<1x8192xf32> to vector<8192xf32>
    %broadcast_in_dim3A_212 = vector.shape_cast %squeeze3A_211 : vector<8192xf32> to vector<8192x1xf32>
    %mul3A_213 = vector.broadcast %broadcast_in_dim3A_212 : vector<8192x1xf32> to vector<8192x16xf32>
    %mul3A_214 = arith.mulf %convert_element_type3A_209, %mul3A_213 : vector<8192x16xf32>
    %slice3A_215 = vector.extract_strided_slice %convert_element_type3A_72 {offsets = [1, 0], sizes = [1, 8192], strides = [1, 1]} : vector<4x8192xf32> to vector<1x8192xf32>
    %squeeze3A_216 = vector.shape_cast %slice3A_215 : vector<1x8192xf32> to vector<8192xf32>
    %broadcast_in_dim3A_217 = vector.shape_cast %squeeze3A_216 : vector<8192xf32> to vector<8192x1xf32>
    %mul3A_218 = vector.broadcast %broadcast_in_dim3A_217 : vector<8192x1xf32> to vector<8192x16xf32>
    %mul3A_219 = arith.mulf %convert_element_type3A_209, %mul3A_218 : vector<8192x16xf32>
    %slice3A_220 = vector.extract_strided_slice %convert_element_type3A_76 {offsets = [1, 0], sizes = [1, 8192], strides = [1, 1]} : vector<4x8192xf32> to vector<1x8192xf32>
    %squeeze3A_221 = vector.shape_cast %slice3A_220 : vector<1x8192xf32> to vector<8192xf32>
    %broadcast_in_dim3A_222 = vector.shape_cast %squeeze3A_221 : vector<8192xf32> to vector<8192x1xf32>
    %mul3A_223 = vector.broadcast %broadcast_in_dim3A_222 : vector<8192x1xf32> to vector<8192x16xf32>
    %mul3A_224 = arith.mulf %convert_element_type3A_209, %mul3A_223 : vector<8192x16xf32>
    %concatenate3A_225 = tpu.concatenate %mul3A_214, %mul3A_219, %mul3A_224 in 1 : vector<8192x16xf32>, vector<8192x16xf32>, vector<8192x16xf32> -> vector<8192x48xf32>
    %dot_general3A_226 = arith.constant dense<0.000000e+00> : vector<13x48xf32>
    %dot_general3A_227 = tpu.matmul %convert_element_type3A_200, %concatenate3A_225, %dot_general3A_226 {dimension_numbers = #tpu.dot_dimension_numbers<[1], [0], [0], [1], [0, 0, 1, 1], [], []>, precision = #tpu.contract_precision<fp32>, transpose_lhs_hint = false} : vector<13x8192xf32>, vector<8192x48xf32>, vector<13x48xf32> -> vector<13x48xf32>
    %dot_general3A_228 = arith.constant dense<0.000000e+00> : vector<208x48xf32>
    %dot_general3A_229 = tpu.matmul %convert_element_type3A_100, %dot_general3A_227, %dot_general3A_228 {dimension_numbers = #tpu.dot_dimension_numbers<[1], [0], [0], [1], [0, 0, 1, 1], [], []>, precision = #tpu.contract_precision<fp32>, transpose_lhs_hint = false} : vector<208x13xf32>, vector<13x48xf32>, vector<208x48xf32> -> vector<208x48xf32>
    %slice3A_230 = vector.extract_strided_slice %dot_general3A_229 {offsets = [0, 0], sizes = [208, 16], strides = [1, 1]} : vector<208x48xf32> to vector<208x16xf32>
    %mul3A_231 = arith.mulf %slice3A_230, %convert_element_type3A_92 : vector<208x16xf32>
    %reduce_sum3A_232 = arith.constant dense<0.000000e+00> : vector<208xf32>
    %reduce_sum3A_233 = vector.multi_reduction <add>, %mul3A_231, %reduce_sum3A_232 [1] : vector<208x16xf32> to vector<208xf32>
    %convert_element_type3A_234 = arith.fptosi %reduce_sum3A_233 : vector<208xf32> to vector<208xi32>
    %slice3A_235 = vector.extract_strided_slice %dot_general3A_229 {offsets = [0, 16], sizes = [208, 16], strides = [1, 1]} : vector<208x48xf32> to vector<208x16xf32>
    %mul3A_236 = arith.mulf %slice3A_235, %convert_element_type3A_92 : vector<208x16xf32>
    %reduce_sum3A_237 = arith.constant dense<0.000000e+00> : vector<208xf32>
    %reduce_sum3A_238 = vector.multi_reduction <add>, %mul3A_236, %reduce_sum3A_237 [1] : vector<208x16xf32> to vector<208xf32>
    %convert_element_type3A_239 = arith.fptosi %reduce_sum3A_238 : vector<208xf32> to vector<208xi32>
    %slice3A_240 = vector.extract_strided_slice %dot_general3A_229 {offsets = [0, 32], sizes = [208, 16], strides = [1, 1]} : vector<208x48xf32> to vector<208x16xf32>
    %mul3A_241 = arith.mulf %slice3A_240, %convert_element_type3A_92 : vector<208x16xf32>
    %reduce_sum3A_242 = arith.constant dense<0.000000e+00> : vector<208xf32>
    %reduce_sum3A_243 = vector.multi_reduction <add>, %mul3A_241, %reduce_sum3A_242 [1] : vector<208x16xf32> to vector<208xf32>
    %convert_element_type3A_244 = arith.fptosi %reduce_sum3A_243 : vector<208xf32> to vector<208xi32>
    %sub3A_245 = arith.constant 32768 : i32
    %sub3A_246 = vector.broadcast %sub3A_245 : i32 to vector<208xi32>
    %sub3A_247 = arith.subi %convert_element_type3A_239, %sub3A_246 : vector<208xi32>
    %shift_left3A_248 = arith.constant 16 : i32
    %shift_left3A_249 = vector.broadcast %shift_left3A_248 : i32 to vector<208xi32>
    %shift_left3A_250 = arith.shli %sub3A_247, %shift_left3A_249 : vector<208xi32>
    %or3A_251 = arith.ori %shift_left3A_250, %convert_element_type3A_244 : vector<208xi32>
    %broadcast_in_dim3A_252 = vector.shape_cast %or3A_251 : vector<208xi32> to vector<208x1xi32>
    %broadcast_in_dim3A_253 = vector.shape_cast %or3A_251 : vector<208xi32> to vector<1x208xi32>
    %gt3A_254 = vector.broadcast %broadcast_in_dim3A_252 : vector<208x1xi32> to vector<208x208xi32>
    %gt3A_255 = vector.broadcast %broadcast_in_dim3A_253 : vector<1x208xi32> to vector<208x208xi32>
    %gt3A_256 = arith.cmpi sgt, %gt3A_254, %gt3A_255 : vector<208x208xi32>
    %broadcast_in_dim3A_257 = vector.shape_cast %or3A_251 : vector<208xi32> to vector<1x208xi32>
    %eq3A_258 = vector.broadcast %broadcast_in_dim3A_252 : vector<208x1xi32> to vector<208x208xi32>
    %eq3A_259 = vector.broadcast %broadcast_in_dim3A_257 : vector<1x208xi32> to vector<208x208xi32>
    %eq3A_260 = arith.cmpi eq, %eq3A_258, %eq3A_259 : vector<208x208xi32>
    %lt3A_261 = arith.cmpi slt, %iota3A_82, %iota3A_83 : vector<208x208xi32>
    %and3A_262 = arith.andi %eq3A_260, %lt3A_261 : vector<208x208xi1>
    %or3A_263 = arith.ori %gt3A_256, %and3A_262 : vector<208x208xi1>
    %convert_element_type3A_264 = arith.extui %or3A_263 : vector<208x208xi1> to vector<208x208xi32>
    %reduce_sum3A_265 = arith.constant dense<0> : vector<208xi32>
    %reduce_sum3A_266 = vector.multi_reduction <add>, %convert_element_type3A_264, %reduce_sum3A_265 [0] : vector<208x208xi32> to vector<208xi32>
    %broadcast_in_dim3A_267 = vector.shape_cast %reduce_sum3A_266 : vector<208xi32> to vector<1x208xi32>
    %eq3A_268 = vector.broadcast %broadcast_in_dim3A_267 : vector<1x208xi32> to vector<208x208xi32>
    %eq3A_269 = arith.cmpi eq, %iota3A_84, %eq3A_268 : vector<208x208xi32>
    %convert_element_type3A_270 = arith.extui %eq3A_269 : vector<208x208xi1> to vector<208x208xi32>
    %convert_element_type3A_271 = arith.sitofp %convert_element_type3A_270 : vector<208x208xi32> to vector<208x208xf32>
    %convert_element_type3A_272 = arith.sitofp %convert_element_type3A_234 : vector<208xi32> to vector<208xf32>
    %broadcast_in_dim3A_273 = vector.shape_cast %convert_element_type3A_272 : vector<208xf32> to vector<208x1xf32>
    %dot_general3A_274 = arith.constant dense<0.000000e+00> : vector<208x1xf32>
    %dot_general3A_275 = tpu.matmul %convert_element_type3A_271, %broadcast_in_dim3A_273, %dot_general3A_274 {dimension_numbers = #tpu.dot_dimension_numbers<[1], [0], [0], [1], [0, 0, 1, 1], [], []>, precision = #tpu.contract_precision<fp32>, transpose_lhs_hint = false} : vector<208x208xf32>, vector<208x1xf32>, vector<208x1xf32> -> vector<208x1xf32>
    %squeeze3A_276 = vector.shape_cast %dot_general3A_275 : vector<208x1xf32> to vector<208xf32>
    %convert_element_type3A_277 = arith.fptosi %squeeze3A_276 : vector<208xf32> to vector<208xi32>
    %swap3A_278 = arith.constant 1 : index
    %swap3A_279 = arith.constant 0 : index
    %swap3A_280 = vector.load %arg1[%swap3A_278, %swap3A_279] : memref<4x208xi32, #tpu.memory_space<vmem>>, vector<1x208xi32>
    %swap3A_281 = vector.shape_cast %swap3A_280 : vector<1x208xi32> to vector<208xi32>
    %swap3A_282 = vector.shape_cast %convert_element_type3A_277 : vector<208xi32> to vector<1x208xi32>
    tpu.vector_store %arg1[%swap3A_278, %swap3A_279], %swap3A_282 {strides = array<i32>} : memref<4x208xi32, #tpu.memory_space<vmem>>, vector<1x208xi32>,
    %slice3A_283 = vector.extract_strided_slice %select_n3A {offsets = [2, 0], sizes = [1, 8192], strides = [1, 1]} : vector<4x8192xi32> to vector<1x8192xi32>
    %squeeze3A_284 = vector.shape_cast %slice3A_283 : vector<1x8192xi32> to vector<8192xi32>
    %shift_right_arithmetic3A_285 = arith.constant 4 : i32
    %shift_right_arithmetic3A_286 = vector.broadcast %shift_right_arithmetic3A_285 : i32 to vector<8192xi32>
    %shift_right_arithmetic3A_287 = arith.shrsi %squeeze3A_284, %shift_right_arithmetic3A_286 : vector<8192xi32>
    %broadcast_in_dim3A_288 = vector.shape_cast %shift_right_arithmetic3A_287 : vector<8192xi32> to vector<1x8192xi32>
    %eq3A_289 = vector.broadcast %broadcast_in_dim3A_288 : vector<1x8192xi32> to vector<13x8192xi32>
    %eq3A_290 = vector.broadcast %iota3A_81 : vector<13x1xi32> to vector<13x8192xi32>
    %eq3A_291 = arith.cmpi eq, %eq3A_289, %eq3A_290 : vector<13x8192xi32>
    %convert_element_type3A_292 = arith.extui %eq3A_291 : vector<13x8192xi1> to vector<13x8192xi32>
    %convert_element_type3A_293 = arith.sitofp %convert_element_type3A_292 : vector<13x8192xi32> to vector<13x8192xf32>
    %and3A_294 = arith.constant 15 : i32
    %and3A_295 = vector.broadcast %and3A_294 : i32 to vector<8192xi32>
    %and3A_296 = arith.andi %squeeze3A_284, %and3A_295 : vector<8192xi32>
    %broadcast_in_dim3A_297 = vector.shape_cast %and3A_296 : vector<8192xi32> to vector<8192x1xi32>
    %eq3A_298 = vector.broadcast %broadcast_in_dim3A_297 : vector<8192x1xi32> to vector<8192x16xi32>
    %eq3A_299 = vector.broadcast %iota3A_80 : vector<1x16xi32> to vector<8192x16xi32>
    %eq3A_300 = arith.cmpi eq, %eq3A_298, %eq3A_299 : vector<8192x16xi32>
    %convert_element_type3A_301 = arith.extui %eq3A_300 : vector<8192x16xi1> to vector<8192x16xi32>
    %convert_element_type3A_302 = arith.sitofp %convert_element_type3A_301 : vector<8192x16xi32> to vector<8192x16xf32>
    %slice3A_303 = vector.extract_strided_slice %convert_element_type3A_79 {offsets = [2, 0], sizes = [1, 8192], strides = [1, 1]} : vector<4x8192xf32> to vector<1x8192xf32>
    %squeeze3A_304 = vector.shape_cast %slice3A_303 : vector<1x8192xf32> to vector<8192xf32>
    %broadcast_in_dim3A_305 = vector.shape_cast %squeeze3A_304 : vector<8192xf32> to vector<8192x1xf32>
    %mul3A_306 = vector.broadcast %broadcast_in_dim3A_305 : vector<8192x1xf32> to vector<8192x16xf32>
    %mul3A_307 = arith.mulf %convert_element_type3A_302, %mul3A_306 : vector<8192x16xf32>
    %slice3A_308 = vector.extract_strided_slice %convert_element_type3A_72 {offsets = [2, 0], sizes = [1, 8192], strides = [1, 1]} : vector<4x8192xf32> to vector<1x8192xf32>
    %squeeze3A_309 = vector.shape_cast %slice3A_308 : vector<1x8192xf32> to vector<8192xf32>
    %broadcast_in_dim3A_310 = vector.shape_cast %squeeze3A_309 : vector<8192xf32> to vector<8192x1xf32>
    %mul3A_311 = vector.broadcast %broadcast_in_dim3A_310 : vector<8192x1xf32> to vector<8192x16xf32>
    %mul3A_312 = arith.mulf %convert_element_type3A_302, %mul3A_311 : vector<8192x16xf32>
    %slice3A_313 = vector.extract_strided_slice %convert_element_type3A_76 {offsets = [2, 0], sizes = [1, 8192], strides = [1, 1]} : vector<4x8192xf32> to vector<1x8192xf32>
    %squeeze3A_314 = vector.shape_cast %slice3A_313 : vector<1x8192xf32> to vector<8192xf32>
    %broadcast_in_dim3A_315 = vector.shape_cast %squeeze3A_314 : vector<8192xf32> to vector<8192x1xf32>
    %mul3A_316 = vector.broadcast %broadcast_in_dim3A_315 : vector<8192x1xf32> to vector<8192x16xf32>
    %mul3A_317 = arith.mulf %convert_element_type3A_302, %mul3A_316 : vector<8192x16xf32>
    %concatenate3A_318 = tpu.concatenate %mul3A_307, %mul3A_312, %mul3A_317 in 1 : vector<8192x16xf32>, vector<8192x16xf32>, vector<8192x16xf32> -> vector<8192x48xf32>
    %dot_general3A_319 = arith.constant dense<0.000000e+00> : vector<13x48xf32>
    %dot_general3A_320 = tpu.matmul %convert_element_type3A_293, %concatenate3A_318, %dot_general3A_319 {dimension_numbers = #tpu.dot_dimension_numbers<[1], [0], [0], [1], [0, 0, 1, 1], [], []>, precision = #tpu.contract_precision<fp32>, transpose_lhs_hint = false} : vector<13x8192xf32>, vector<8192x48xf32>, vector<13x48xf32> -> vector<13x48xf32>
    %dot_general3A_321 = arith.constant dense<0.000000e+00> : vector<208x48xf32>
    %dot_general3A_322 = tpu.matmul %convert_element_type3A_100, %dot_general3A_320, %dot_general3A_321 {dimension_numbers = #tpu.dot_dimension_numbers<[1], [0], [0], [1], [0, 0, 1, 1], [], []>, precision = #tpu.contract_precision<fp32>, transpose_lhs_hint = false} : vector<208x13xf32>, vector<13x48xf32>, vector<208x48xf32> -> vector<208x48xf32>
    %slice3A_323 = vector.extract_strided_slice %dot_general3A_322 {offsets = [0, 0], sizes = [208, 16], strides = [1, 1]} : vector<208x48xf32> to vector<208x16xf32>
    %mul3A_324 = arith.mulf %slice3A_323, %convert_element_type3A_92 : vector<208x16xf32>
    %reduce_sum3A_325 = arith.constant dense<0.000000e+00> : vector<208xf32>
    %reduce_sum3A_326 = vector.multi_reduction <add>, %mul3A_324, %reduce_sum3A_325 [1] : vector<208x16xf32> to vector<208xf32>
    %convert_element_type3A_327 = arith.fptosi %reduce_sum3A_326 : vector<208xf32> to vector<208xi32>
    %slice3A_328 = vector.extract_strided_slice %dot_general3A_322 {offsets = [0, 16], sizes = [208, 16], strides = [1, 1]} : vector<208x48xf32> to vector<208x16xf32>
    %mul3A_329 = arith.mulf %slice3A_328, %convert_element_type3A_92 : vector<208x16xf32>
    %reduce_sum3A_330 = arith.constant dense<0.000000e+00> : vector<208xf32>
    %reduce_sum3A_331 = vector.multi_reduction <add>, %mul3A_329, %reduce_sum3A_330 [1] : vector<208x16xf32> to vector<208xf32>
    %convert_element_type3A_332 = arith.fptosi %reduce_sum3A_331 : vector<208xf32> to vector<208xi32>
    %slice3A_333 = vector.extract_strided_slice %dot_general3A_322 {offsets = [0, 32], sizes = [208, 16], strides = [1, 1]} : vector<208x48xf32> to vector<208x16xf32>
    %mul3A_334 = arith.mulf %slice3A_333, %convert_element_type3A_92 : vector<208x16xf32>
    %reduce_sum3A_335 = arith.constant dense<0.000000e+00> : vector<208xf32>
    %reduce_sum3A_336 = vector.multi_reduction <add>, %mul3A_334, %reduce_sum3A_335 [1] : vector<208x16xf32> to vector<208xf32>
    %convert_element_type3A_337 = arith.fptosi %reduce_sum3A_336 : vector<208xf32> to vector<208xi32>
    %sub3A_338 = arith.constant 32768 : i32
    %sub3A_339 = vector.broadcast %sub3A_338 : i32 to vector<208xi32>
    %sub3A_340 = arith.subi %convert_element_type3A_332, %sub3A_339 : vector<208xi32>
    %shift_left3A_341 = arith.constant 16 : i32
    %shift_left3A_342 = vector.broadcast %shift_left3A_341 : i32 to vector<208xi32>
    %shift_left3A_343 = arith.shli %sub3A_340, %shift_left3A_342 : vector<208xi32>
    %or3A_344 = arith.ori %shift_left3A_343, %convert_element_type3A_337 : vector<208xi32>
    %broadcast_in_dim3A_345 = vector.shape_cast %or3A_344 : vector<208xi32> to vector<208x1xi32>
    %broadcast_in_dim3A_346 = vector.shape_cast %or3A_344 : vector<208xi32> to vector<1x208xi32>
    %gt3A_347 = vector.broadcast %broadcast_in_dim3A_345 : vector<208x1xi32> to vector<208x208xi32>
    %gt3A_348 = vector.broadcast %broadcast_in_dim3A_346 : vector<1x208xi32> to vector<208x208xi32>
    %gt3A_349 = arith.cmpi sgt, %gt3A_347, %gt3A_348 : vector<208x208xi32>
    %broadcast_in_dim3A_350 = vector.shape_cast %or3A_344 : vector<208xi32> to vector<1x208xi32>
    %eq3A_351 = vector.broadcast %broadcast_in_dim3A_345 : vector<208x1xi32> to vector<208x208xi32>
    %eq3A_352 = vector.broadcast %broadcast_in_dim3A_350 : vector<1x208xi32> to vector<208x208xi32>
    %eq3A_353 = arith.cmpi eq, %eq3A_351, %eq3A_352 : vector<208x208xi32>
    %lt3A_354 = arith.cmpi slt, %iota3A_82, %iota3A_83 : vector<208x208xi32>
    %and3A_355 = arith.andi %eq3A_353, %lt3A_354 : vector<208x208xi1>
    %or3A_356 = arith.ori %gt3A_349, %and3A_355 : vector<208x208xi1>
    %convert_element_type3A_357 = arith.extui %or3A_356 : vector<208x208xi1> to vector<208x208xi32>
    %reduce_sum3A_358 = arith.constant dense<0> : vector<208xi32>
    %reduce_sum3A_359 = vector.multi_reduction <add>, %convert_element_type3A_357, %reduce_sum3A_358 [0] : vector<208x208xi32> to vector<208xi32>
    %broadcast_in_dim3A_360 = vector.shape_cast %reduce_sum3A_359 : vector<208xi32> to vector<1x208xi32>
    %eq3A_361 = vector.broadcast %broadcast_in_dim3A_360 : vector<1x208xi32> to vector<208x208xi32>
    %eq3A_362 = arith.cmpi eq, %iota3A_84, %eq3A_361 : vector<208x208xi32>
    %convert_element_type3A_363 = arith.extui %eq3A_362 : vector<208x208xi1> to vector<208x208xi32>
    %convert_element_type3A_364 = arith.sitofp %convert_element_type3A_363 : vector<208x208xi32> to vector<208x208xf32>
    %convert_element_type3A_365 = arith.sitofp %convert_element_type3A_327 : vector<208xi32> to vector<208xf32>
    %broadcast_in_dim3A_366 = vector.shape_cast %convert_element_type3A_365 : vector<208xf32> to vector<208x1xf32>
    %dot_general3A_367 = arith.constant dense<0.000000e+00> : vector<208x1xf32>
    %dot_general3A_368 = tpu.matmul %convert_element_type3A_364, %broadcast_in_dim3A_366, %dot_general3A_367 {dimension_numbers = #tpu.dot_dimension_numbers<[1], [0], [0], [1], [0, 0, 1, 1], [], []>, precision = #tpu.contract_precision<fp32>, transpose_lhs_hint = false} : vector<208x208xf32>, vector<208x1xf32>, vector<208x1xf32> -> vector<208x1xf32>
    %squeeze3A_369 = vector.shape_cast %dot_general3A_368 : vector<208x1xf32> to vector<208xf32>
    %convert_element_type3A_370 = arith.fptosi %squeeze3A_369 : vector<208xf32> to vector<208xi32>
    %swap3A_371 = arith.constant 2 : index
    %swap3A_372 = arith.constant 0 : index
    %swap3A_373 = vector.load %arg1[%swap3A_371, %swap3A_372] : memref<4x208xi32, #tpu.memory_space<vmem>>, vector<1x208xi32>
    %swap3A_374 = vector.shape_cast %swap3A_373 : vector<1x208xi32> to vector<208xi32>
    %swap3A_375 = vector.shape_cast %convert_element_type3A_370 : vector<208xi32> to vector<1x208xi32>
    tpu.vector_store %arg1[%swap3A_371, %swap3A_372], %swap3A_375 {strides = array<i32>} : memref<4x208xi32, #tpu.memory_space<vmem>>, vector<1x208xi32>,
    %slice3A_376 = vector.extract_strided_slice %select_n3A {offsets = [3, 0], sizes = [1, 8192], strides = [1, 1]} : vector<4x8192xi32> to vector<1x8192xi32>
    %squeeze3A_377 = vector.shape_cast %slice3A_376 : vector<1x8192xi32> to vector<8192xi32>
    %shift_right_arithmetic3A_378 = arith.constant 4 : i32
    %shift_right_arithmetic3A_379 = vector.broadcast %shift_right_arithmetic3A_378 : i32 to vector<8192xi32>
    %shift_right_arithmetic3A_380 = arith.shrsi %squeeze3A_377, %shift_right_arithmetic3A_379 : vector<8192xi32>
    %broadcast_in_dim3A_381 = vector.shape_cast %shift_right_arithmetic3A_380 : vector<8192xi32> to vector<1x8192xi32>
    %eq3A_382 = vector.broadcast %broadcast_in_dim3A_381 : vector<1x8192xi32> to vector<13x8192xi32>
    %eq3A_383 = vector.broadcast %iota3A_81 : vector<13x1xi32> to vector<13x8192xi32>
    %eq3A_384 = arith.cmpi eq, %eq3A_382, %eq3A_383 : vector<13x8192xi32>
    %convert_element_type3A_385 = arith.extui %eq3A_384 : vector<13x8192xi1> to vector<13x8192xi32>
    %convert_element_type3A_386 = arith.sitofp %convert_element_type3A_385 : vector<13x8192xi32> to vector<13x8192xf32>
    %and3A_387 = arith.constant 15 : i32
    %and3A_388 = vector.broadcast %and3A_387 : i32 to vector<8192xi32>
    %and3A_389 = arith.andi %squeeze3A_377, %and3A_388 : vector<8192xi32>
    %broadcast_in_dim3A_390 = vector.shape_cast %and3A_389 : vector<8192xi32> to vector<8192x1xi32>
    %eq3A_391 = vector.broadcast %broadcast_in_dim3A_390 : vector<8192x1xi32> to vector<8192x16xi32>
    %eq3A_392 = vector.broadcast %iota3A_80 : vector<1x16xi32> to vector<8192x16xi32>
    %eq3A_393 = arith.cmpi eq, %eq3A_391, %eq3A_392 : vector<8192x16xi32>
    %convert_element_type3A_394 = arith.extui %eq3A_393 : vector<8192x16xi1> to vector<8192x16xi32>
    %convert_element_type3A_395 = arith.sitofp %convert_element_type3A_394 : vector<8192x16xi32> to vector<8192x16xf32>
    %slice3A_396 = vector.extract_strided_slice %convert_element_type3A_79 {offsets = [3, 0], sizes = [1, 8192], strides = [1, 1]} : vector<4x8192xf32> to vector<1x8192xf32>
    %squeeze3A_397 = vector.shape_cast %slice3A_396 : vector<1x8192xf32> to vector<8192xf32>
    %broadcast_in_dim3A_398 = vector.shape_cast %squeeze3A_397 : vector<8192xf32> to vector<8192x1xf32>
    %mul3A_399 = vector.broadcast %broadcast_in_dim3A_398 : vector<8192x1xf32> to vector<8192x16xf32>
    %mul3A_400 = arith.mulf %convert_element_type3A_395, %mul3A_399 : vector<8192x16xf32>
    %slice3A_401 = vector.extract_strided_slice %convert_element_type3A_72 {offsets = [3, 0], sizes = [1, 8192], strides = [1, 1]} : vector<4x8192xf32> to vector<1x8192xf32>
    %squeeze3A_402 = vector.shape_cast %slice3A_401 : vector<1x8192xf32> to vector<8192xf32>
    %broadcast_in_dim3A_403 = vector.shape_cast %squeeze3A_402 : vector<8192xf32> to vector<8192x1xf32>
    %mul3A_404 = vector.broadcast %broadcast_in_dim3A_403 : vector<8192x1xf32> to vector<8192x16xf32>
    %mul3A_405 = arith.mulf %convert_element_type3A_395, %mul3A_404 : vector<8192x16xf32>
    %slice3A_406 = vector.extract_strided_slice %convert_element_type3A_76 {offsets = [3, 0], sizes = [1, 8192], strides = [1, 1]} : vector<4x8192xf32> to vector<1x8192xf32>
    %squeeze3A_407 = vector.shape_cast %slice3A_406 : vector<1x8192xf32> to vector<8192xf32>
    %broadcast_in_dim3A_408 = vector.shape_cast %squeeze3A_407 : vector<8192xf32> to vector<8192x1xf32>
    %mul3A_409 = vector.broadcast %broadcast_in_dim3A_408 : vector<8192x1xf32> to vector<8192x16xf32>
    %mul3A_410 = arith.mulf %convert_element_type3A_395, %mul3A_409 : vector<8192x16xf32>
    %concatenate3A_411 = tpu.concatenate %mul3A_400, %mul3A_405, %mul3A_410 in 1 : vector<8192x16xf32>, vector<8192x16xf32>, vector<8192x16xf32> -> vector<8192x48xf32>
    %dot_general3A_412 = arith.constant dense<0.000000e+00> : vector<13x48xf32>
    %dot_general3A_413 = tpu.matmul %convert_element_type3A_386, %concatenate3A_411, %dot_general3A_412 {dimension_numbers = #tpu.dot_dimension_numbers<[1], [0], [0], [1], [0, 0, 1, 1], [], []>, precision = #tpu.contract_precision<fp32>, transpose_lhs_hint = false} : vector<13x8192xf32>, vector<8192x48xf32>, vector<13x48xf32> -> vector<13x48xf32>
    %dot_general3A_414 = arith.constant dense<0.000000e+00> : vector<208x48xf32>
    %dot_general3A_415 = tpu.matmul %convert_element_type3A_100, %dot_general3A_413, %dot_general3A_414 {dimension_numbers = #tpu.dot_dimension_numbers<[1], [0], [0], [1], [0, 0, 1, 1], [], []>, precision = #tpu.contract_precision<fp32>, transpose_lhs_hint = false} : vector<208x13xf32>, vector<13x48xf32>, vector<208x48xf32> -> vector<208x48xf32>
    %slice3A_416 = vector.extract_strided_slice %dot_general3A_415 {offsets = [0, 0], sizes = [208, 16], strides = [1, 1]} : vector<208x48xf32> to vector<208x16xf32>
    %mul3A_417 = arith.mulf %slice3A_416, %convert_element_type3A_92 : vector<208x16xf32>
    %reduce_sum3A_418 = arith.constant dense<0.000000e+00> : vector<208xf32>
    %reduce_sum3A_419 = vector.multi_reduction <add>, %mul3A_417, %reduce_sum3A_418 [1] : vector<208x16xf32> to vector<208xf32>
    %convert_element_type3A_420 = arith.fptosi %reduce_sum3A_419 : vector<208xf32> to vector<208xi32>
    %slice3A_421 = vector.extract_strided_slice %dot_general3A_415 {offsets = [0, 16], sizes = [208, 16], strides = [1, 1]} : vector<208x48xf32> to vector<208x16xf32>
    %mul3A_422 = arith.mulf %slice3A_421, %convert_element_type3A_92 : vector<208x16xf32>
    %reduce_sum3A_423 = arith.constant dense<0.000000e+00> : vector<208xf32>
    %reduce_sum3A_424 = vector.multi_reduction <add>, %mul3A_422, %reduce_sum3A_423 [1] : vector<208x16xf32> to vector<208xf32>
    %convert_element_type3A_425 = arith.fptosi %reduce_sum3A_424 : vector<208xf32> to vector<208xi32>
    %slice3A_426 = vector.extract_strided_slice %dot_general3A_415 {offsets = [0, 32], sizes = [208, 16], strides = [1, 1]} : vector<208x48xf32> to vector<208x16xf32>
    %mul3A_427 = arith.mulf %slice3A_426, %convert_element_type3A_92 : vector<208x16xf32>
    %reduce_sum3A_428 = arith.constant dense<0.000000e+00> : vector<208xf32>
    %reduce_sum3A_429 = vector.multi_reduction <add>, %mul3A_427, %reduce_sum3A_428 [1] : vector<208x16xf32> to vector<208xf32>
    %convert_element_type3A_430 = arith.fptosi %reduce_sum3A_429 : vector<208xf32> to vector<208xi32>
    %sub3A_431 = arith.constant 32768 : i32
    %sub3A_432 = vector.broadcast %sub3A_431 : i32 to vector<208xi32>
    %sub3A_433 = arith.subi %convert_element_type3A_425, %sub3A_432 : vector<208xi32>
    %shift_left3A_434 = arith.constant 16 : i32
    %shift_left3A_435 = vector.broadcast %shift_left3A_434 : i32 to vector<208xi32>
    %shift_left3A_436 = arith.shli %sub3A_433, %shift_left3A_435 : vector<208xi32>
    %or3A_437 = arith.ori %shift_left3A_436, %convert_element_type3A_430 : vector<208xi32>
    %broadcast_in_dim3A_438 = vector.shape_cast %or3A_437 : vector<208xi32> to vector<208x1xi32>
    %broadcast_in_dim3A_439 = vector.shape_cast %or3A_437 : vector<208xi32> to vector<1x208xi32>
    %gt3A_440 = vector.broadcast %broadcast_in_dim3A_438 : vector<208x1xi32> to vector<208x208xi32>
    %gt3A_441 = vector.broadcast %broadcast_in_dim3A_439 : vector<1x208xi32> to vector<208x208xi32>
    %gt3A_442 = arith.cmpi sgt, %gt3A_440, %gt3A_441 : vector<208x208xi32>
    %broadcast_in_dim3A_443 = vector.shape_cast %or3A_437 : vector<208xi32> to vector<1x208xi32>
    %eq3A_444 = vector.broadcast %broadcast_in_dim3A_438 : vector<208x1xi32> to vector<208x208xi32>
    %eq3A_445 = vector.broadcast %broadcast_in_dim3A_443 : vector<1x208xi32> to vector<208x208xi32>
    %eq3A_446 = arith.cmpi eq, %eq3A_444, %eq3A_445 : vector<208x208xi32>
    %lt3A_447 = arith.cmpi slt, %iota3A_82, %iota3A_83 : vector<208x208xi32>
    %and3A_448 = arith.andi %eq3A_446, %lt3A_447 : vector<208x208xi1>
    %or3A_449 = arith.ori %gt3A_442, %and3A_448 : vector<208x208xi1>
    %convert_element_type3A_450 = arith.extui %or3A_449 : vector<208x208xi1> to vector<208x208xi32>
    %reduce_sum3A_451 = arith.constant dense<0> : vector<208xi32>
    %reduce_sum3A_452 = vector.multi_reduction <add>, %convert_element_type3A_450, %reduce_sum3A_451 [0] : vector<208x208xi32> to vector<208xi32>
    %broadcast_in_dim3A_453 = vector.shape_cast %reduce_sum3A_452 : vector<208xi32> to vector<1x208xi32>
    %eq3A_454 = vector.broadcast %broadcast_in_dim3A_453 : vector<1x208xi32> to vector<208x208xi32>
    %eq3A_455 = arith.cmpi eq, %iota3A_84, %eq3A_454 : vector<208x208xi32>
    %convert_element_type3A_456 = arith.extui %eq3A_455 : vector<208x208xi1> to vector<208x208xi32>
    %convert_element_type3A_457 = arith.sitofp %convert_element_type3A_456 : vector<208x208xi32> to vector<208x208xf32>
    %convert_element_type3A_458 = arith.sitofp %convert_element_type3A_420 : vector<208xi32> to vector<208xf32>
    %broadcast_in_dim3A_459 = vector.shape_cast %convert_element_type3A_458 : vector<208xf32> to vector<208x1xf32>
    %dot_general3A_460 = arith.constant dense<0.000000e+00> : vector<208x1xf32>
    %dot_general3A_461 = tpu.matmul %convert_element_type3A_457, %broadcast_in_dim3A_459, %dot_general3A_460 {dimension_numbers = #tpu.dot_dimension_numbers<[1], [0], [0], [1], [0, 0, 1, 1], [], []>, precision = #tpu.contract_precision<fp32>, transpose_lhs_hint = false} : vector<208x208xf32>, vector<208x1xf32>, vector<208x1xf32> -> vector<208x1xf32>
    %squeeze3A_462 = vector.shape_cast %dot_general3A_461 : vector<208x1xf32> to vector<208xf32>
    %convert_element_type3A_463 = arith.fptosi %squeeze3A_462 : vector<208xf32> to vector<208xi32>
    %swap3A_464 = arith.constant 3 : index
    %swap3A_465 = arith.constant 0 : index
    %swap3A_466 = vector.load %arg1[%swap3A_464, %swap3A_465] : memref<4x208xi32, #tpu.memory_space<vmem>>, vector<1x208xi32>
    %swap3A_467 = vector.shape_cast %swap3A_466 : vector<1x208xi32> to vector<208xi32>
    %swap3A_468 = vector.shape_cast %convert_element_type3A_463 : vector<208xi32> to vector<1x208xi32>
    tpu.vector_store %arg1[%swap3A_464, %swap3A_465], %swap3A_468 {strides = array<i32>} : memref<4x208xi32, #tpu.memory_space<vmem>>, vector<1x208xi32>,
    return
  }
}

module attributes {stable_mosaic.version = 14 : i64} {
  func.func @_proj_body(%arg0: i32, %arg1: memref<800x768xf32, #tpu.memory_space<vmem>>, %arg2: memref<768x1024xf32, #tpu.memory_space<vmem>>, %arg3: memref<1x1024xf32, #tpu.memory_space<vmem>>, %arg4: memref<800x1024xf32, #tpu.memory_space<vmem>>) attributes {dimension_semantics = [#tpu.dimension_semantics<arbitrary>], iteration_bounds = array<i64: 4>, scalar_prefetch = 0 : i64, scratch_operands = 0 : i64, tpu.core_type = #tpu.core_type<tc>, window_params = [{pipeline_mode = #tpu.pipeline_mode<synchronous>, transform_indices = @transform_0, window_bounds = array<i64: 800, 768>}, {transform_indices = @transform_1, window_bounds = array<i64: 768, 1024>}, {transform_indices = @transform_2, window_bounds = array<i64: 1, 1024>}, {transform_indices = @transform_3, window_bounds = array<i64: 800, 1024>}]} {
    %get3A = arith.constant 0 : index
    %get3A_0 = arith.constant 0 : index
    %get3A_1 = vector.load %arg1[%get3A, %get3A_0] : memref<800x768xf32, #tpu.memory_space<vmem>>, vector<800x768xf32>
    %get3A_2 = arith.constant 0 : index
    %get3A_3 = arith.constant 0 : index
    %get3A_4 = vector.load %arg2[%get3A_2, %get3A_3] : memref<768x1024xf32, #tpu.memory_space<vmem>>, vector<768x1024xf32>
    %dot_general3A = arith.constant dense<0.000000e+00> : vector<800x1024xf32>
    %dot_general3A_5 = tpu.matmul %get3A_1, %get3A_4, %dot_general3A {dimension_numbers = #tpu.dot_dimension_numbers<[1], [0], [0], [1], [0, 0, 1, 1], [], []>, transpose_lhs_hint = false} : vector<800x768xf32>, vector<768x1024xf32>, vector<800x1024xf32> -> vector<800x1024xf32>
    %get3A_6 = arith.constant 0 : index
    %get3A_7 = arith.constant 0 : index
    %get3A_8 = vector.load %arg3[%get3A_6, %get3A_7] : memref<1x1024xf32, #tpu.memory_space<vmem>>, vector<1x1024xf32>
    %add3A = vector.broadcast %get3A_8 : vector<1x1024xf32> to vector<800x1024xf32>
    %add3A_9 = arith.addf %dot_general3A_5, %add3A : vector<800x1024xf32>
    %swap3A = arith.constant 0 : index
    %swap3A_10 = arith.constant 0 : index
    %swap3A_11 = vector.load %arg4[%swap3A, %swap3A_10] : memref<800x1024xf32, #tpu.memory_space<vmem>>, vector<800x1024xf32>
    tpu.vector_store %arg4[%swap3A, %swap3A_10], %add3A_9 {strides = array<i32>} : memref<800x1024xf32, #tpu.memory_space<vmem>>, vector<800x1024xf32>,
    return
  }
  func.func @transform_0(%arg0: i32) -> (i32, i32) {
    %c0_i32 = arith.constant 0 : i32
    %c0_i32_0 = arith.constant 0 : i32
    %c0_i32_1 = arith.constant 0 : i32
    return %c0_i32, %c0_i32_0 : i32, i32
  }
  func.func @transform_1(%arg0: i32) -> (i32, i32) {
    %c0_i32 = arith.constant 0 : i32
    %c0_i32_0 = arith.constant 0 : i32
    return %c0_i32, %arg0 : i32, i32
  }
  func.func @transform_2(%arg0: i32) -> (i32, i32) {
    %c0_i32 = arith.constant 0 : i32
    %c0_i32_0 = arith.constant 0 : i32
    return %c0_i32, %arg0 : i32, i32
  }
  func.func @transform_3(%arg0: i32) -> (i32, i32) {
    %c0_i32 = arith.constant 0 : i32
    %c0_i32_0 = arith.constant 0 : i32
    return %c0_i32, %arg0 : i32, i32
  }
}

</mosaic_0001>

<sc_bundles>
// kernel: kernel.6.cloned.1.call-start
scs
__scs_entry_jumppad:
0x0: {  	(pc) =	sbr.rel $0x88, $3  }
0x1: {  	(tag) =	ssettag $0x0;
	lr =	simm.s32 $0x1  }
0x2: {  	[smem:$0x3F9B] =	sst lr;
	_ =	strace $0xD0000000  }
0x3: {  	_ = 	snop  }
0x4: {  	_ = 	snop  }
0x5: {  	_ = 	snop  }
0x6: {  	_ = 	snop  }
0x7: {  	_ = 	snop  }
__scs_overlays_trampoline_lowered:
0x8: {  	[smem:$0x3FAA] =	sst s0  }
0x9: {  	[smem:$0x3FAB] =	sst s1  }
0xa: {  	[smem:$0x3FAC] =	sst s2  }
0xb: {  	[smem:$0x3FAD] =	sst s3  }
0xc: {  	[smem:$0x3FAE] =	sst s4  }
0xd: {  	[smem:$0x3FAF] =	sst s5  }
0xe: {  	[smem:$0x3FB0] =	sst s6  }
0xf: {  	[smem:$0x3FB1] =	sst s7  }
0x10: {  	[smem:$0x3FB2] =	sst s8  }
0x11: {  	[smem:$0x3FB3] =	sst s9;
	s0 =	simm.s32 @!p0 $0x0  }
0x12: {  	s1 =	sld [smem:$0x3F99];
	s0 =	simm.s32 @p0 $0x1  }
0x13: {  	[smem:$0x3FB4] =	sst s0;
	s0 =	simm.s32 @!p1 $0x0  }
0x14: {  	s2 =	sld [smem:$0x3F98];
	s0 =	simm.s32 @p1 $0x1  }
0x15: {  	[smem:$0x3FB5] =	sst s0;
	s0 =	simm.s32 @!p2 $0x0  }
0x16: {  	s3 =	sld [smem:$0x3FDB];
	s0 =	simm.s32 @p2 $0x1  }
0x17: {  	s4 =	simm.s32 $0x1BF5;
	[smem:$0x3FB7] =	sst s0  }
0x18: {  	s0 =	sld [smem:$0x3F9A];
	_ =	swait.ge [sflag:s4], $0x0  }
0x19: {  	s7 =	sld [smem:$0x3F9B]  }
0x1a: {  	s8 =	sadd.s32 $0xFFFFE003, lr  }
0x1b: {  	s9 =	sadd.s32 $0xFFFFFEF7, lr;
	s5 =	simm.s32 $0xFFFFFFFF;
	p2 =	slt.u32 s8, $0xFFFFF086  }
0x1c: {  	p1 =	slt.u32 s9, $0xF7A;
	s5 =	simm.s32 @!p2 $0x0  }
0x1d: {  	s5 =	simm.s32 @p1 $0x1;
	p0 =	seq.s32 s7, s2  }
0x1e: {  	s7 =	smul.u32 @!p0 $0xF7A, s2;
	p2 =	seq.s32 @!p0 s5, $0x0  }
0x1f: {  	s9 =	smul.u32 $0xF7A, s1;
	s8 =	simm.s32 @!p0 $0x1BF5;
	p2 =	por !p2, p0  }
0x20: {  	[sflag:s8] =	ssyncset.s32 @!p0 $0xFFFFF086;
	s6 =	sadd.s32 @!p0 s3, s7;
	s7 =	simm.s32 @!p0 $0x108  }
0x21: {  	s3 =	sadd.s32 s3, s9;
	s6 =	sadd.s32 @!p0 $0x88, s6;
	s7 =	simm.s32 @p2 $0x1082  }
0x22: {  	[simem:s7], [sflag:s8] =	dma.local @!p0 [hbm:s6], $0xF7A  }
0x23: {  	s9 =	sor.u32 $0xD0000000, s2;
	s6 =	simm.s32 $0x108;
	_ =	swait.ge @!p0 [sflag:s8], $0x0  }
0x24: {  	s3 =	sadd.s32 $0x88, s3;
	s6 =	simm.s32 @!p1 $0x1082;
	[sflag:s4] =	ssyncset.s32 $0xFFFFF086  }
0x25: {  	[simem:s6], [sflag:s4] =	dma.local [hbm:s3], $0xF7A  }
0x26: {  	[smem:$0x3F9B] =	sst s1;
	(tag) =	ssettag s2;
	_ =	strace s9  }
0x27: {  	s1 =	sld [smem:$0x3FAB]  }
0x28: {  	s2 =	sld [smem:$0x3FAC]  }
0x29: {  	s4 =	sld [smem:$0x3FAE]  }
0x2a: {  	p0 =	seq.s32 s5, $0x0;
	s5 =	sld [smem:$0x3FAF]  }
0x2b: {  	s6 =	sld [smem:$0x3FB0]  }
0x2c: {  	s7 =	sld [smem:$0x3FB1]  }
0x2d: {  	s3 =	simm.s32 $0x108;
	s8 =	sld [smem:$0x3FB2]  }
0x2e: {  	s3 =	simm.s32 @!p0 $0x1082;
	s9 =	sld [smem:$0x3FB3]  }
0x2f: {  	lr =	sadd.s32 s0, s3;
	s0 =	sld [smem:$0x3FAA]  }
0x30: {  	s3 =	sld [smem:$0x3FAD]  }
0x31: {  	[smem:$0x3FB6] =	sst s10  }
0x32: {  	s10 =	sld [smem:$0x3FB4];
	_ =	sdelay $0x3  }
0x33: {  	p0 =	seq.s32 s10, $0x1;
	s10 =	sld [smem:$0x3FB6];
	_ =	sdelay $0x3  }
0x34: {  	[smem:$0x3FB6] =	sst s10  }
0x35: {  	s10 =	sld [smem:$0x3FB5];
	_ =	sdelay $0x3  }
0x36: {  	p1 =	seq.s32 s10, $0x1;
	s10 =	sld [smem:$0x3FB6];
	_ =	sdelay $0x3  }
0x37: {  	[smem:$0x3FB6] =	sst s10  }
0x38: {  	s10 =	sld [smem:$0x3FB7]  }
0x39: {  	_ = 	snop;
	(pc) =	sbr.ind lr, $3  }
0x3a: {  	_ = 	snop  }
0x3b: {  	_ = 	snop  }
0x3c: {  	p2 =	seq.s32 s10, $0x1;
	s10 =	sld [smem:$0x3FB6]  }
0x3d: {  	_ =	shalt  }
0x3e: {  	_ =	shalt  }
0x3f: {  	_ =	shalt  }
0x40: {  	_ =	shalt  }
0x41: {  	_ =	shalt  }
0x42: {  	_ =	shalt  }
0x43: {  	_ =	shalt  }
0x44: {  	_ =	shalt  }
0x45: {  	_ =	shalt  }
0x46: {  	_ =	shalt  }
0x47: {  	_ =	shalt  }
0x48: {  	_ =	shalt  }
0x49: {  	_ =	shalt  }
0x4a: {  	_ =	shalt  }
0x4b: {  	_ =	shalt  }
0x4c: {  	_ =	shalt  }
0x4d: {  	_ =	shalt  }
0x4e: {  	_ =	shalt  }
0x4f: {  	_ =	shalt  }
0x50: {  	_ =	shalt  }
0x51: {  	_ =	shalt  }
0x52: {  	_ =	shalt  }
0x53: {  	_ =	shalt  }
0x54: {  	_ =	shalt  }
0x55: {  	_ =	shalt  }
0x56: {  	_ =	shalt  }
0x57: {  	_ =	shalt  }
0x58: {  	_ =	shalt  }
0x59: {  	_ =	shalt  }
0x5a: {  	_ =	shalt  }
0x5b: {  	_ =	shalt  }
0x5c: {  	_ =	shalt  }
0x5d: {  	_ =	shalt  }
0x5e: {  	_ =	shalt  }
0x5f: {  	_ =	shalt  }
0x60: {  	_ =	shalt  }
0x61: {  	_ =	shalt  }
0x62: {  	_ =	shalt  }
0x63: {  	_ =	shalt  }
0x64: {  	_ =	shalt  }
0x65: {  	_ =	shalt  }
0x66: {  	_ =	shalt  }
0x67: {  	_ =	shalt  }
0x68: {  	_ =	shalt  }
0x69: {  	_ =	shalt  }
0x6a: {  	_ =	shalt  }
0x6b: {  	_ =	shalt  }
0x6c: {  	_ =	shalt  }
0x6d: {  	_ =	shalt  }
0x6e: {  	_ =	shalt  }
0x6f: {  	_ =	shalt  }
0x70: {  	_ =	shalt  }
0x71: {  	_ =	shalt  }
0x72: {  	_ =	shalt  }
0x73: {  	_ =	shalt  }
0x74: {  	_ =	shalt  }
0x75: {  	_ =	shalt  }
0x76: {  	_ =	shalt  }
0x77: {  	_ =	shalt  }
0x78: {  	_ =	shalt  }
0x79: {  	_ =	shalt  }
0x7a: {  	_ =	shalt  }
0x7b: {  	_ =	shalt  }
0x7c: {  	_ =	shalt  }
0x7d: {  	_ =	shalt  }
0x7e: {  	_ =	shalt  }
0x7f: {  	_ =	shalt  }
0x80: {  	_ =	shalt  }
0x81: {  	_ =	shalt  }
0x82: {  	_ =	shalt  }
0x83: {  	_ =	shalt  }
0x84: {  	_ =	shalt  }
0x85: {  	_ =	shalt  }
0x86: {  	_ =	shalt  }
0x87: {  	_ =	shalt  }
.Lfunc_end0:
.L_simem_size_0:
called_computation_lowered:
.L_overlay_start_0:
0x88: {  	s2 =	sld [smem:$0x3FD9]  }
0x89: {  	s3 =	sld [smem:$0x3FFE];
	_ =	sdelay $0x1  }
0x8a: {  	s1 =	srdreg.scid  }
0x8b: {  	s0 =	sand.u32 $0x1, s1  }
0x8c: {  	s17 =	sshll.u32 s0, $0xA;
	s2 =	sadd.s32 s3, s2  }
0x8d: {  	s2 =	sadd.s32 s2, s17  }
0x8e: {  	[smem:$0x3FC2] =	sst s2  }
0x8f: {  	_ = 	snop  }
0x90: {  	s2 =	sld [smem:$0x3FC9]  }
0x91: {  	s18 =	sld [smem:$0x3FD0];
	(tm) =	ssettm $0x1  }
0x92: {  	s4 =	sld [smem:$0x3FFB];
	_ =	sdelay $0x3  }
0x93: {  	_ =	strace s4  }
0x94: {  	s4 =	sld [smem:$0x3FFC];
	_ =	sdelay $0x3  }
0x95: {  	_ =	strace s4  }
0x96: {  	s4 =	sld [smem:$0x3FFD];
	_ =	sdelay $0x3  }
0x97: {  	_ =	strace s4  }
0x98: {  	_ =	strace $0x8FFFFFFF  }
0x99: {  	s19 =	sld [smem:$0x3FDB];
	_ =	sdelay $0x1  }
0x9a: {  	s5 =	simm.s32 $_scs_section_size  }
0x9b: {  	s6 =	simm.s32 $_size__tile_overlayer_lowered;
	s7 =	simm.s32 $_tile_overlayer_lowered  }
0x9c: {  	s22 =	simm.s32 $0x1BFF;
	s21 =	sshll.u32 s7, $0x1;
	s4 =	sadd.s32 s5, s19  }
0x9d: {  	s8 =	simm.s32 $0x0;
	s20 =	sshll.u32 s6, $0x1;
	s6 =	sadd.s32 s21, s4  }
0x9e: {  	[timem:s8], [sflag:s22] =	dma.local [hbm:s6], s20  }
0x9f: {  	_ =	swait.ge [sflag:s22], s20  }
0xa0: {  	s5 =	ssub.s32 $0x0, s20;
	[sflag:s22] =	ssyncset.done $0x0  }
0xa1: {  	[sflag:s22] =	ssyncadd.s32 s5;
	_ =	sdelay $0x1  }
0xa2: {  	s23 =	simm.s32 $0x1B8B  }
0xa3: {  	_ =	swait.ge [sflag:s23], $0x1  }
0xa4: {  	[sflag:s23] =	ssyncset.done $0x0  }
0xa5: {  	s25 =	simm.s32 $0x1B8E;
	s24 =	sld [smem:$0x3FFE];
	[sflag:s23] =	ssyncadd.s32 $0xFFFFFFFF  }
0xa6: {  	s26 =	simm.s32 $execute0_lowered;
	[smem:$0x3FD2] =	sst s25  }
0xa7: {  	s6 =	sshll.u32 s26, $0x1;
	_ =	strace $0x80000046;
	[dreg:$0x1] =	wrdreg $0xFFFFFFFF  }
0xa8: {  	s28 =	simm.s32 $_size_execute0_lowered;
	s4 =	sadd.s32 s4, s6;
	[dreg:$0x0] =	wrdreg $0x0  }
0xa9: {  	s6 =	sshll.u32 s28, $0x1;
	[dreg:$0x2] =	wrdreg s4  }
0xaa: {  	[dreg:$0x3] =	wrdreg s6  }
0xab: {  	[dreg:$0x4] =	wrdreg $0xC0  }
0xac: {  	_ =	task [dreg:s8], $0x5FFFF  }
0xad: {  	[dreg:$0x1] =	wrdreg $0xFFFFFFFF  }
0xae: {  	[dreg:$0x0] =	wrdreg $0x60  }
0xaf: {  	[dreg:$0x2] =	wrdreg s24  }
0xb0: {  	[dreg:$0x3] =	wrdreg s2  }
0xb1: {  	[dreg:$0x4] =	wrdreg s18  }
0xb2: {  	[dreg:$0x5] =	wrdreg $0x9  }
0xb3: {  	_ =	task.clear_ibuf [dreg:s8], $0x6FFFF;
	_ =	strace $0x90000046  }
0xb4: {  	s29 =	simm.s32 $0x9;
	_ =	strace $0x80000048  }
0xb5: {  	_ =	swait.ge [sflag:s29], $0x1  }
0xb6: {  	[sflag:s29] =	ssyncadd.s32 $0xFFFFFFFF  }
0xb7: {  	_ =	strace $0x90000048  }
0xb8: {  	_ =	sfence  }
0xb9: {  	s30 =	sld [smem:$0x0];
	_ =	sdelay $0x2  }
0xba: {  	s31 =	sshll.u32 s1, $0xD;
	s1 =	sshrl.u32 s1, $0x2  }
0xbb: {  	s3 =	sand.u32 $0x4000, s31;
	s1 =	sadd.s32 s1, s30  }
0xbc: {  	s0 =	sor.u32 s3, s0;
	s1 =	sshll.u32 s1, $0x11  }
0xbd: {  	s0 =	sor.u32 s1, s0  }
0xbe: {  	s0 =	sadd.s32 $0x8F2B, s0  }
0xbf: {  	[sflag:s0] =	ssyncadd.remote.s32 $0x1  }
0xc0: {  	_ =	sfence.sel $0xFFFF  }
0xc1: {  	[dreg:$0x0] =	wrdreg $0xFFFFFFFF;
	(pc) =	sbr.abs _section_cstart, $3  }
0xc2: {  	[dreg:$0x1] =	wrdreg $0xFFFFFFFF  }
0xc3: {  	_ =	task.clear_ibuf [dreg:s8], $0x2FFFF;
	_ =	strace $0x9FFFFFFF  }
0xc4: {  	(tm) =	ssettm $0x7FFFFFFF  }
0xc5: {  	_ =	shalt  }
tec
execute0_lowered:
.L_overlay_start_1:
0x0: {  	(tag) =	ssettag $0x1  }
0x1: {  	s6 =	rddreg [dreg:$0x0]  }
0x2: {  	s0 =	stileid.u32;
	s7 =	rddreg [dreg:$0x1]  }
0x3: {  	s1 =	srdreg.scid;
	s8 =	rddreg [dreg:$0x2];
	s3 =	simm.s32 $0x0  }
0x4: {  	s13 =	simm.s32 $0x900;
	s15 =	simm.s32 $0x1100;
	s16 =	simm.s32 $0x1900  }
0x5: {  	s17 =	simm.s32 $0x2100;
	s18 =	simm.s32 $0x2900;
	s19 =	simm.s32 $0x3100  }
0x6: {  	s20 =	simm.s32 $0x3900;
	s21 =	simm.s32 $0x4100;
	s22 =	simm.s32 $0x4900  }
0x7: {  	s23 =	simm.s32 $0x5100;
	s24 =	simm.s32 $0x5900;
	s25 =	simm.s32 $0x1  }
0x8: {  	s4 =	sshrl.u32 s0, $0x2;
	s5 =	sand.u32 $0x1, s1;
	s28 =	sshll.u32 s0, $0x1  }
0x9: {  	s1 =	sor.u32 s5, s28;
	s2 =	sshll.u32 s4, $0x3;
	s9 =	smul.u32 $0xC8, s4  }
0xa: {  	[smem:$0x7FF] =	sst s3;
	s11 =	smul.u32 $0xC0000, s4;
	s1 =	ssub.s32 s1, s2  }
0xb: {  	s10 =	sshll.u32 s4, $0x4;
	s5 =	ssub.s32 $0x2, s5;
	s2 =	smul.u32 $0x18, s1  }
0xc: {  	s6 =	sadd.s32 s10, s6;
	s30 =	sshrl.u32 s5, $0x1;
	s10 =	simm.s32 $0x2  }
0xd: {  	s1 =	rddreg [dreg:$0x3];
	_ =	strace $0x80000047;
	s9 =	sadd.s32 s9, s2  }
0xe: {  	s4 =	sadd.s32 $0x1600, s6;
	s29 =	sshrl.u32 s9, $0x3;
	s9 =	ssub.s32 s5, s30  }
0xf: {  	v2 =	vlaneseq.u32;
	s5 =	sadd.s32 s7, s11;
	s11 =	simm.s32 $0x100;
	s31 =	smul.u32 $0x300, s29  }
0x10: {  	vm0 =	vmmov $0xffff;
	v1 =	vshrl.u32 v2, $0x3;
	s7 =	smax.u32 s9, $0x1;
	s9 =	simm.s32 $0x200;
	s12 =	sadd.s32 $0x100, s5  }
0x11: {  	v0 =	vand.u32 $0x7, v2;
	v2 =	vor.u32 $0x8, v2;
	v1 =	vmul.u32 $0x8, v1;
	s14 =	sadd.s32 $0x200, s5;
	s6 =	sadd.s32 s8, s31;
	s8 =	simm.s32 $0x80  }
.LBB2_1:
0x12: {  	[tilespmem:s3], [sflag:$0x2] =	stream.strided.gather [hbm4b:s4+s8], $0x100, s9, s8, $0x38;
	[tilespmem:$0x6100] =	vst v63  }
0x13: {  	_ =	swait.ge [sflag:s10], $0x100  }
0x14: {  	[sflag:s10] =	ssyncset.done $0x0  }
0x15: {  	[sflag:s10] =	ssyncadd.s32 $0xFFFFFF00  }
0x16: {  	v3 =	vld [tilespmem:s2+$0x0];
	_ =	sdelay $0x4  }
0x17: {  	v4 =	vshrl.u32 v3, $0x3  }
0x18: {  	v4 =	vmul.u32 $0x30, v4  }
0x19: {  	v3 =	vand.u32 $0x7, v3  }
0x1a: {  	v3 =	vor.u32 v3, v4  }
0x1b: {  	v4 =	vperm.xlane v3, v0;
	_ =	sdelay $0x1  }
0x1c: {  	v4 =	vadd.s32 v1, v4;
	_ =	sdelay $0x3  }
0x1d: {  	v3 =	vperm.xlane v3, v2  }
0x1e: {  	[tilespmem:s11], [sflag:$0x1] =	stream.indirect_vreg.gather [hbm4b:s5+s3], $0x80, v4, vm0, $0xb8;
	[tilespmem:$0x6100] =	vst v63  }
0x1f: {  	v3 =	vadd.s32 v1, v3  }
0x20: {  	[tilespmem:s13], [sflag:$0x1] =	stream.indirect_vreg.gather [hbm4b:s12+s3], $0x80, v4, vm0, $0xb8;
	[tilespmem:$0x6100] =	vst v63  }
0x21: {  	_ = 	snop  }
0x22: {  	[tilespmem:s15], [sflag:$0x1] =	stream.indirect_vreg.gather [hbm4b:s14+s3], $0x80, v4, vm0, $0xb8;
	[tilespmem:$0x6100] =	vst v63  }
0x23: {  	_ = 	snop  }
0x24: {  	[tilespmem:s16], [sflag:$0x1] =	stream.indirect_vreg.gather [hbm4b:s5+s3], $0x80, v3, vm0, $0xb8;
	[tilespmem:$0x6100] =	vst v63  }
0x25: {  	_ = 	snop  }
0x26: {  	[tilespmem:s17], [sflag:$0x1] =	stream.indirect_vreg.gather [hbm4b:s12+s3], $0x80, v3, vm0, $0xb8;
	[tilespmem:$0x6100] =	vst v63  }
0x27: {  	_ = 	snop  }
0x28: {  	[tilespmem:s18], [sflag:$0x1] =	stream.indirect_vreg.gather [hbm4b:s14+s3], $0x80, v3, vm0, $0xb8;
	[tilespmem:$0x6100] =	vst v63  }
0x29: {  	v3 =	vld [tilespmem:s2+$0x10];
	_ =	sdelay $0x4  }
0x2a: {  	v63 =	vshrl.u32 v3, $0x3  }
0x2b: {  	v4 =	vmul.u32 $0x30, v63  }
0x2c: {  	v3 =	vand.u32 $0x7, v3  }
0x2d: {  	v3 =	vor.u32 v3, v4  }
0x2e: {  	v4 =	vperm.xlane v3, v0;
	_ =	sdelay $0x1  }
0x2f: {  	v4 =	vadd.s32 v1, v4;
	_ =	sdelay $0x3  }
0x30: {  	v3 =	vperm.xlane v3, v2  }
0x31: {  	[tilespmem:s19], [sflag:$0x1] =	stream.indirect_vreg.gather [hbm4b:s5+s3], $0x80, v4, vm0, $0xb8;
	[tilespmem:$0x6100] =	vst v63  }
0x32: {  	v3 =	vadd.s32 v1, v3  }
0x33: {  	[tilespmem:s20], [sflag:$0x1] =	stream.indirect_vreg.gather [hbm4b:s12+s3], $0x80, v4, vm0, $0xb8;
	[tilespmem:$0x6100] =	vst v63  }
0x34: {  	_ = 	snop  }
0x35: {  	[tilespmem:s21], [sflag:$0x1] =	stream.indirect_vreg.gather [hbm4b:s14+s3], $0x80, v4, vm0, $0xb8;
	[tilespmem:$0x6100] =	vst v63  }
0x36: {  	_ = 	snop  }
0x37: {  	[tilespmem:s22], [sflag:$0x1] =	stream.indirect_vreg.gather [hbm4b:s5+s3], $0x80, v3, vm0, $0xb8;
	[tilespmem:$0x6100] =	vst v63  }
0x38: {  	_ = 	snop  }
0x39: {  	[tilespmem:s23], [sflag:$0x1] =	stream.indirect_vreg.gather [hbm4b:s12+s3], $0x80, v3, vm0, $0xb8;
	[tilespmem:$0x6100] =	vst v63  }
0x3a: {  	_ = 	snop  }
0x3b: {  	[tilespmem:s24], [sflag:$0x1] =	stream.indirect_vreg.gather [hbm4b:s14+s3], $0x80, v3, vm0, $0xb8;
	[tilespmem:$0x6100] =	vst v63  }
0x3c: {  	_ =	swait.ge [sflag:s25], $0x6000  }
0x3d: {  	p0 =	sne.s32 s7, $0x1;
	[sflag:s25] =	ssyncset.done $0x0  }
.Ltmp0:
0x3e: {  	[sflag:s25] =	ssyncadd.s32 $0xFFFFA000;
	(pc) =	sbr.rel @p0 .LBB2_1-.Ltmp0, $4  }
0x3f: {  	[hbm4b:s6+s3] =	stream.linear.scatter [tilespmem:s11], [sflag:$0x2], $0x6000, $0x38;
	[tilespmem:$0x6100] =	vst v63  }
0x40: {  	_ =	swait.ge [sflag:s10], $0x6000  }
0x41: {  	[sflag:s10] =	ssyncset.done $0x0  }
0x42: {  	s7 =	sadd.s32 $0xFFFFFFFF, s7;
	[sflag:s10] =	ssyncadd.s32 $0xFFFFA000  }
0x43: {  	_ =	sfence.sel $0x180000  }
0x44: {  	[bflag:$0x0] =	sbarrier.arrive $0xFFFF  }
0x45: {  	p0 =	sne.s32 s0, $0x0;
	_ =	strace $0x90000047  }
0x46: {  	s0 =	sadd.s32 @!p0 $0x100000, s1;
	[bflag:$0x2] =	sbarrier.arrive $0xFFFF  }
0x47: {  	[sflag:s0] =	ssyncadd.tile.s32 @!p0 $0x1;
	_ =	shalt  }
.Lfunc_end2:
_tile_overlayer_lowered:
.L_overlay_start_2:
0x48: {  	(tag) =	ssettag $0x2  }
0x49: {  	s0 =	rddreg [dreg:$0x0];
	s2 =	stileid.u32  }
0x4a: {  	s1 =	rddreg [dreg:$0x1];
	p0 =	sne.s32 s2, $0x0  }
0x4b: {  	s3 =	rddreg [dreg:$0x2];
	[bflag:$0x3] =	sbarrier.arrive $0xFFFF;
	s2 =	simm.s32 @!p0 $0x1C02  }
0x4c: {  	[timem:s3], [sflag:s2] =	dma.local @!p0 [hbm:s0], s1  }
0x4d: {  	s0 =	simm.s32 @!p0 $0x2  }
0x4e: {  	_ =	swait.ge @!p0 [sflag:s0], s1  }
0x4f: {  	s1 =	ssub.s32 @!p0 $0x0, s1;
	[sflag:s0] =	ssyncset.done @!p0 $0x0  }
0x50: {  	[sflag:s0] =	ssyncadd.s32 @!p0 s1  }
0x51: {  	[bflag:$0x3] =	sbarrier.arrive $0xFFFF  }
0x52: {  	_ =	shalt  }

</sc_bundles>
